<compile_context>
chip_gen: v7x
topology: tpu7x:2x2x1
jax: 0.10.2.dev20260603
libtpu: 0.0.44.dev20260713+nightly
codegen_flags: <defaults>
</compile_context>

<pallas_src>
import functools

import jax
import jax.numpy as jnp
from jax import lax
from jax.experimental import pallas as pl
from jax.experimental.pallas import tpu as pltpu
from jax.experimental.pallas import tpu_sc as plsc

_B = 16384
_D = 32
_NC = 2
_NS = 16
_NW = _NC * _NS
_RPT = _B // _NW
_L = 16


@functools.lru_cache(maxsize=1)
def _sc_diff_kernel():
    mesh = plsc.VectorSubcoreMesh(core_axis_name="c", subcore_axis_name="s")

    @functools.partial(
        pl.kernel,
        mesh=mesh,
        compiler_params=pltpu.CompilerParams(
            needs_layout_passes=False, use_tc_tiling_on_sc=False
        ),
        out_type=jax.ShapeDtypeStruct((_B,), jnp.float32),
        scratch_types=[
            pltpu.VMEM((_RPT,), jnp.int32),
            pltpu.VMEM((_RPT,), jnp.int32),
            pltpu.VMEM((_RPT,), jnp.int32),
            pltpu.VMEM((_RPT, _D), jnp.float32),
            pltpu.VMEM((_RPT, _D), jnp.float32),
            pltpu.VMEM((_RPT, _D), jnp.float32),
            pltpu.VMEM((_RPT,), jnp.float32),
            pltpu.SemaphoreType.DMA,
        ],
    )
    def diff_kernel(users_hbm, items_hbm, negs_hbm, uw_hbm, iw_hbm, out_hbm,
                    u_idx, p_idx, n_idx, u_rows, p_rows, n_rows, out_v, sem):
        wid = lax.axis_index("s") * _NC + lax.axis_index("c")
        base = wid * _RPT
        pltpu.sync_copy(users_hbm.at[pl.ds(base, _RPT)], u_idx)
        pltpu.sync_copy(items_hbm.at[pl.ds(base, _RPT)], p_idx)
        pltpu.sync_copy(negs_hbm.at[pl.ds(base, _RPT)], n_idx)
        cu = pltpu.async_copy(uw_hbm.at[u_idx], u_rows, sem)
        cp = pltpu.async_copy(iw_hbm.at[p_idx], p_rows, sem)
        cn = pltpu.async_copy(iw_hbm.at[n_idx], n_rows, sem)
        cu.wait()
        cp.wait()
        cn.wait()

        def blk_body(blk, carry):
            rows = blk * _L + lax.iota(jnp.int32, _L)
            acc = jnp.zeros((_L,), jnp.float32)
            for d in range(_D):
                dd = jnp.full((_L,), d, jnp.int32)
                u = plsc.load_gather(u_rows, [rows, dd])
                p = plsc.load_gather(p_rows, [rows, dd])
                n = plsc.load_gather(n_rows, [rows, dd])
                acc = acc + u * (p - n)
            plsc.store_scatter(out_v, [rows], acc)
            return carry

        lax.fori_loop(0, _RPT // _L, blk_body, 0)
        pltpu.sync_copy(out_v, out_hbm.at[pl.ds(base, _RPT)])

    return diff_kernel


def _tc_loss(diff2d):
    def body(x_ref, o_ref):
        x = x_ref[...]
        ls = jnp.minimum(x, 0.0) - jnp.log1p(jnp.exp(-jnp.abs(x)))
        o_ref[0, 0] = -(jnp.sum(ls) / _B)

    return pl.pallas_call(
        body,
        out_shape=jax.ShapeDtypeStruct((1, 1), jnp.float32),
        out_specs=pl.BlockSpec(memory_space=pltpu.SMEM),
    )(diff2d)


def kernel(batch, neg_items, users_weight, items_weight):
    users = batch[:, 0].astype(jnp.int32)
    items = batch[:, 2].astype(jnp.int32)
    negs = neg_items.astype(jnp.int32)
    diff = _sc_diff_kernel()(users, items, negs, users_weight, items_weight)
    loss = _tc_loss(diff.reshape(128, 128))
    return loss[0, 0]

# --- scband reference (transcript-rebuilt; emitter-appended) ---
"""Pipeline reference for scband-pmf-3822520894183 (READ-ONLY COPY).

The authoritative reference and input builder live on the scoring server;
editing this copy changes nothing except your own understanding.
"""

import jax, jax.numpy as jnp
import numpy as np

NUM_USERS = 1000000
NUM_ITEMS = 1000000
EMBED_DIM = 32
BATCH = 16384


def setup_inputs(seed: int = 0) -> dict:
    key = jax.random.key(seed)
    k1, k2, k3, k4 = jax.random.split(key, 4)
    # batch columns: [user, <unused>, item]; values in-range for both tables
    batch = jax.random.randint(k1, (BATCH, 3), 0, min(NUM_USERS, NUM_ITEMS))
    # negative items: in the torch module these are rejection-sampled with
    # np.random against user_dict; here we materialize them deterministically
    neg_items = jax.random.randint(k2, (BATCH,), 0, NUM_ITEMS)
    # learned parameters: PMF initializes with 0.1 * Uniform[0,1)
    users_weight = 0.1 * jax.random.uniform(k3, (NUM_USERS, EMBED_DIM), dtype=jnp.float32)
    items_weight = 0.1 * jax.random.uniform(k4, (NUM_ITEMS, EMBED_DIM), dtype=jnp.float32)
    return {
        "batch": batch,
        "neg_items": neg_items,
        "users_weight": users_weight,
        "items_weight": items_weight,
    }


def reference(batch, neg_items, users_weight, items_weight):
    users = batch[:, 0]
    items = batch[:, 2]
    users_embed = jnp.take(users_weight, users, axis=0)   # [B, D] gather
    items_embed = jnp.take(items_weight, items, axis=0)   # [B, D] gather
    neg_items_embed = jnp.take(items_weight, neg_items, axis=0)  # [B, D] gather
    R_neg = jnp.sum(users_embed * neg_items_embed, axis=1)
    R_pos = jnp.sum(users_embed * items_embed, axis=1)
    # loss = -LogSigmoid(R_pos - R_neg).mean()
    loss = -jnp.mean(jax.nn.log_sigmoid(R_pos - R_neg))
    return loss

if __name__ == "__main__":
    import jax
    _d = setup_inputs()
    print(jax.jit(kernel)(*tuple(_d.values())))

</pallas_src>

<mosaic_0001>
#map = affine_map<(d0, d1) -> (0)>
#map1 = affine_map<(d0, d1) -> (0, 0)>
module attributes {stable_mosaic.version = 14 : i64} {
  func.func @diff_kernel(%arg0: i32, %arg1: i32, %arg2: memref<16384xi32, #tpu.memory_space<hbm>>, %arg3: memref<16384xi32, #tpu.memory_space<hbm>>, %arg4: memref<16384xi32, #tpu.memory_space<hbm>>, %arg5: memref<1000000x32xf32, #tpu.memory_space<hbm>>, %arg6: memref<1000000x32xf32, #tpu.memory_space<hbm>>, %arg7: memref<16384xf32, #tpu.memory_space<hbm>>, %arg8: memref<512xi32, #tpu.memory_space<vmem>>, %arg9: memref<512xi32, #tpu.memory_space<vmem>>, %arg10: memref<512xi32, #tpu.memory_space<vmem>>, %arg11: memref<512x32xf32, #tpu.memory_space<vmem>>, %arg12: memref<512x32xf32, #tpu.memory_space<vmem>>, %arg13: memref<512x32xf32, #tpu.memory_space<vmem>>, %arg14: memref<512xf32, #tpu.memory_space<vmem>>, %arg15: memref<!tpu.dma_semaphore, #tpu.memory_space<semaphore_mem>>) attributes {dimension_semantics = [#tpu.dimension_semantics<core_parallel>, #tpu.dimension_semantics<subcore_parallel>], iteration_bounds = array<i64: 2, 16>, scalar_prefetch = 0 : i64, scratch_operands = 8 : i64, tpu.core_type = #tpu.core_type<sc_vector_subcore>, window_params = [{transform_indices = #map}, {transform_indices = #map}, {transform_indices = #map}, {transform_indices = #map1}, {transform_indices = #map1}, {transform_indices = #map}]} {
    %mul3A = arith.constant 2 : i32
    %mul3A_0 = arith.muli %arg1, %mul3A : i32
    %add3A = arith.addi %mul3A_0, %arg0 : i32
    %mul3A_1 = arith.constant 512 : i32
    %mul3A_2 = arith.muli %add3A, %mul3A_1 : i32
    "tpu.region"() ({
      %run_scoped3A = tpu.sem_alloc : memref<!tpu.dma_semaphore, #tpu.memory_space<semaphore_mem>>
      %dma_start3A_24 = tpu.memref_slice %arg2[%mul3A_2] : memref<16384xi32, #tpu.memory_space<hbm>> -> memref<512xi32, #tpu.memory_space<hbm>>
      %dma_start3A_25 = tpu.memref_slice %arg2[%mul3A_2] : memref<16384xi32, #tpu.memory_space<hbm>> -> memref<512xi32, #tpu.memory_space<hbm>>
      tpu.enqueue_dma source(%dma_start3A_25 : memref<512xi32, #tpu.memory_space<hbm>>) target(%arg8 : memref<512xi32, #tpu.memory_space<vmem>>) target_semaphore(%run_scoped3A : memref<!tpu.dma_semaphore, #tpu.memory_space<semaphore_mem>>)
      %dma_wait3A_26 = tpu.memref_slice %arg2[%mul3A_2] : memref<16384xi32, #tpu.memory_space<hbm>> -> memref<512xi32, #tpu.memory_space<hbm>>
      %dma_wait3A_27 = tpu.memref_slice %arg2[%mul3A_2] : memref<16384xi32, #tpu.memory_space<hbm>> -> memref<512xi32, #tpu.memory_space<hbm>>
      tpu.wait_dma2 semaphore(%run_scoped3A : memref<!tpu.dma_semaphore, #tpu.memory_space<semaphore_mem>>) src(%dma_wait3A_27 : memref<512xi32, #tpu.memory_space<hbm>>) dst(%arg8 : memref<512xi32, #tpu.memory_space<vmem>>)
      tpu.yield
    }) : () -> ()
    "tpu.region"() ({
      %run_scoped3A = tpu.sem_alloc : memref<!tpu.dma_semaphore, #tpu.memory_space<semaphore_mem>>
      %dma_start3A_24 = tpu.memref_slice %arg3[%mul3A_2] : memref<16384xi32, #tpu.memory_space<hbm>> -> memref<512xi32, #tpu.memory_space<hbm>>
      %dma_start3A_25 = tpu.memref_slice %arg3[%mul3A_2] : memref<16384xi32, #tpu.memory_space<hbm>> -> memref<512xi32, #tpu.memory_space<hbm>>
      tpu.enqueue_dma source(%dma_start3A_25 : memref<512xi32, #tpu.memory_space<hbm>>) target(%arg9 : memref<512xi32, #tpu.memory_space<vmem>>) target_semaphore(%run_scoped3A : memref<!tpu.dma_semaphore, #tpu.memory_space<semaphore_mem>>)
      %dma_wait3A_26 = tpu.memref_slice %arg3[%mul3A_2] : memref<16384xi32, #tpu.memory_space<hbm>> -> memref<512xi32, #tpu.memory_space<hbm>>
      %dma_wait3A_27 = tpu.memref_slice %arg3[%mul3A_2] : memref<16384xi32, #tpu.memory_space<hbm>> -> memref<512xi32, #tpu.memory_space<hbm>>
      tpu.wait_dma2 semaphore(%run_scoped3A : memref<!tpu.dma_semaphore, #tpu.memory_space<semaphore_mem>>) src(%dma_wait3A_27 : memref<512xi32, #tpu.memory_space<hbm>>) dst(%arg9 : memref<512xi32, #tpu.memory_space<vmem>>)
      tpu.yield
    }) : () -> ()
    "tpu.region"() ({
      %run_scoped3A = tpu.sem_alloc : memref<!tpu.dma_semaphore, #tpu.memory_space<semaphore_mem>>
      %dma_start3A_24 = tpu.memref_slice %arg4[%mul3A_2] : memref<16384xi32, #tpu.memory_space<hbm>> -> memref<512xi32, #tpu.memory_space<hbm>>
      %dma_start3A_25 = tpu.memref_slice %arg4[%mul3A_2] : memref<16384xi32, #tpu.memory_space<hbm>> -> memref<512xi32, #tpu.memory_space<hbm>>
      tpu.enqueue_dma source(%dma_start3A_25 : memref<512xi32, #tpu.memory_space<hbm>>) target(%arg10 : memref<512xi32, #tpu.memory_space<vmem>>) target_semaphore(%run_scoped3A : memref<!tpu.dma_semaphore, #tpu.memory_space<semaphore_mem>>)
      %dma_wait3A_26 = tpu.memref_slice %arg4[%mul3A_2] : memref<16384xi32, #tpu.memory_space<hbm>> -> memref<512xi32, #tpu.memory_space<hbm>>
      %dma_wait3A_27 = tpu.memref_slice %arg4[%mul3A_2] : memref<16384xi32, #tpu.memory_space<hbm>> -> memref<512xi32, #tpu.memory_space<hbm>>
      tpu.wait_dma2 semaphore(%run_scoped3A : memref<!tpu.dma_semaphore, #tpu.memory_space<semaphore_mem>>) src(%dma_wait3A_27 : memref<512xi32, #tpu.memory_space<hbm>>) dst(%arg10 : memref<512xi32, #tpu.memory_space<vmem>>)
      tpu.yield
    }) : () -> ()
    %dma_start3A = arith.constant 0 : i32
    %dma_start3A_3 = arith.constant 0 : i32
    %dma_start3A_4 = tpu.memref_slice %arg5[%dma_start3A, %dma_start3A_3] : memref<1000000x32xf32, #tpu.memory_space<hbm>> -> memref<1000000x32xf32, #tpu.memory_space<hbm>>
    tpu.enqueue_indirect_dma source(%dma_start3A_4 : memref<1000000x32xf32, #tpu.memory_space<hbm>>) target(%arg11 : memref<512x32xf32, #tpu.memory_space<vmem>>) offsets(%arg8 : memref<512xi32, #tpu.memory_space<vmem>>) semaphore(%arg15 : memref<!tpu.dma_semaphore, #tpu.memory_space<semaphore_mem>>)
    %dma_start3A_5 = arith.constant 0 : i32
    %dma_start3A_6 = arith.constant 0 : i32
    %dma_start3A_7 = tpu.memref_slice %arg6[%dma_start3A_5, %dma_start3A_6] : memref<1000000x32xf32, #tpu.memory_space<hbm>> -> memref<1000000x32xf32, #tpu.memory_space<hbm>>
    tpu.enqueue_indirect_dma source(%dma_start3A_7 : memref<1000000x32xf32, #tpu.memory_space<hbm>>) target(%arg12 : memref<512x32xf32, #tpu.memory_space<vmem>>) offsets(%arg9 : memref<512xi32, #tpu.memory_space<vmem>>) semaphore(%arg15 : memref<!tpu.dma_semaphore, #tpu.memory_space<semaphore_mem>>)
    %dma_start3A_8 = arith.constant 0 : i32
    %dma_start3A_9 = arith.constant 0 : i32
    %dma_start3A_10 = tpu.memref_slice %arg6[%dma_start3A_8, %dma_start3A_9] : memref<1000000x32xf32, #tpu.memory_space<hbm>> -> memref<1000000x32xf32, #tpu.memory_space<hbm>>
    tpu.enqueue_indirect_dma source(%dma_start3A_10 : memref<1000000x32xf32, #tpu.memory_space<hbm>>) target(%arg13 : memref<512x32xf32, #tpu.memory_space<vmem>>) offsets(%arg10 : memref<512xi32, #tpu.memory_space<vmem>>) semaphore(%arg15 : memref<!tpu.dma_semaphore, #tpu.memory_space<semaphore_mem>>)
    %dma_wait3A = arith.constant 0 : i32
    %dma_wait3A_11 = arith.constant 0 : i32
    %dma_wait3A_12 = tpu.memref_slice %arg5[%dma_wait3A, %dma_wait3A_11] : memref<1000000x32xf32, #tpu.memory_space<hbm>> -> memref<1000000x32xf32, #tpu.memory_space<hbm>>
    tpu.wait_indirect_dma semaphore(%arg15 : memref<!tpu.dma_semaphore, #tpu.memory_space<semaphore_mem>>) src(%dma_wait3A_12 : memref<1000000x32xf32, #tpu.memory_space<hbm>>) dst(%arg11 : memref<512x32xf32, #tpu.memory_space<vmem>>)
    %dma_wait3A_13 = arith.constant 0 : i32
    %dma_wait3A_14 = arith.constant 0 : i32
    %dma_wait3A_15 = tpu.memref_slice %arg6[%dma_wait3A_13, %dma_wait3A_14] : memref<1000000x32xf32, #tpu.memory_space<hbm>> -> memref<1000000x32xf32, #tpu.memory_space<hbm>>
    tpu.wait_indirect_dma semaphore(%arg15 : memref<!tpu.dma_semaphore, #tpu.memory_space<semaphore_mem>>) src(%dma_wait3A_15 : memref<1000000x32xf32, #tpu.memory_space<hbm>>) dst(%arg12 : memref<512x32xf32, #tpu.memory_space<vmem>>)
    %dma_wait3A_16 = arith.constant 0 : i32
    %dma_wait3A_17 = arith.constant 0 : i32
    %dma_wait3A_18 = tpu.memref_slice %arg6[%dma_wait3A_16, %dma_wait3A_17] : memref<1000000x32xf32, #tpu.memory_space<hbm>> -> memref<1000000x32xf32, #tpu.memory_space<hbm>>
    tpu.wait_indirect_dma semaphore(%arg15 : memref<!tpu.dma_semaphore, #tpu.memory_space<semaphore_mem>>) src(%dma_wait3A_18 : memref<1000000x32xf32, #tpu.memory_space<hbm>>) dst(%arg13 : memref<512x32xf32, #tpu.memory_space<vmem>>)
    %scan3A = arith.constant 0 : i32
    %scan3A_19 = arith.constant 0 : i32
    %scan3A_20 = arith.constant 32 : i32
    %scan3A_21 = arith.addi %scan3A_19, %scan3A_20 : i32
    %scan3A_22 = arith.constant 1 : i32
    scf.for %scan3A_24 = %scan3A_19 to %scan3A_21 step %scan3A_22  : i32 {
      %mul3A_25 = arith.constant 16 : i32
      %mul3A_26 = arith.muli %scan3A_24, %mul3A_25 : i32
      %iota3A = tpu.iota {dimensions = array<i32: 0>} : vector<16xi32>
      %add3A_27 = vector.broadcast %mul3A_26 : i32 to vector<16xi32>
      %add3A_28 = arith.addi %add3A_27, %iota3A : vector<16xi32>
      %broadcast_in_dim3A = arith.constant 0.000000e+00 : f32
      %broadcast_in_dim3A_29 = vector.broadcast %broadcast_in_dim3A : f32 to vector<16xf32>
      %broadcast_in_dim3A_30 = arith.constant 0 : i32
      %broadcast_in_dim3A_31 = vector.broadcast %broadcast_in_dim3A_30 : i32 to vector<16xi32>
      %gather3A = tpu.vector_load_idx %arg11[%add3A_28, %broadcast_in_dim3A_31] : memref<512x32xf32, #tpu.memory_space<vmem>>[vector<16xi32>, vector<16xi32>], vector<16xf32>,
      %gather3A_32 = tpu.vector_load_idx %arg12[%add3A_28, %broadcast_in_dim3A_31] : memref<512x32xf32, #tpu.memory_space<vmem>>[vector<16xi32>, vector<16xi32>], vector<16xf32>,
      %gather3A_33 = tpu.vector_load_idx %arg13[%add3A_28, %broadcast_in_dim3A_31] : memref<512x32xf32, #tpu.memory_space<vmem>>[vector<16xi32>, vector<16xi32>], vector<16xf32>,
      %sub3A = arith.subf %gather3A_32, %gather3A_33 : vector<16xf32>
      %mul3A_34 = arith.mulf %gather3A, %sub3A : vector<16xf32>
      %add3A_35 = arith.addf %broadcast_in_dim3A_29, %mul3A_34 : vector<16xf32>
      %broadcast_in_dim3A_36 = arith.constant 1 : i32
      %broadcast_in_dim3A_37 = vector.broadcast %broadcast_in_dim3A_36 : i32 to vector<16xi32>
      %gather3A_38 = tpu.vector_load_idx %arg11[%add3A_28, %broadcast_in_dim3A_37] : memref<512x32xf32, #tpu.memory_space<vmem>>[vector<16xi32>, vector<16xi32>], vector<16xf32>,
      %gather3A_39 = tpu.vector_load_idx %arg12[%add3A_28, %broadcast_in_dim3A_37] : memref<512x32xf32, #tpu.memory_space<vmem>>[vector<16xi32>, vector<16xi32>], vector<16xf32>,
      %gather3A_40 = tpu.vector_load_idx %arg13[%add3A_28, %broadcast_in_dim3A_37] : memref<512x32xf32, #tpu.memory_space<vmem>>[vector<16xi32>, vector<16xi32>], vector<16xf32>,
      %sub3A_41 = arith.subf %gather3A_39, %gather3A_40 : vector<16xf32>
      %mul3A_42 = arith.mulf %gather3A_38, %sub3A_41 : vector<16xf32>
      %add3A_43 = arith.addf %add3A_35, %mul3A_42 : vector<16xf32>
      %broadcast_in_dim3A_44 = arith.constant 2 : i32
      %broadcast_in_dim3A_45 = vector.broadcast %broadcast_in_dim3A_44 : i32 to vector<16xi32>
      %gather3A_46 = tpu.vector_load_idx %arg11[%add3A_28, %broadcast_in_dim3A_45] : memref<512x32xf32, #tpu.memory_space<vmem>>[vector<16xi32>, vector<16xi32>], vector<16xf32>,
      %gather3A_47 = tpu.vector_load_idx %arg12[%add3A_28, %broadcast_in_dim3A_45] : memref<512x32xf32, #tpu.memory_space<vmem>>[vector<16xi32>, vector<16xi32>], vector<16xf32>,
      %gather3A_48 = tpu.vector_load_idx %arg13[%add3A_28, %broadcast_in_dim3A_45] : memref<512x32xf32, #tpu.memory_space<vmem>>[vector<16xi32>, vector<16xi32>], vector<16xf32>,
      %sub3A_49 = arith.subf %gather3A_47, %gather3A_48 : vector<16xf32>
      %mul3A_50 = arith.mulf %gather3A_46, %sub3A_49 : vector<16xf32>
      %add3A_51 = arith.addf %add3A_43, %mul3A_50 : vector<16xf32>
      %broadcast_in_dim3A_52 = arith.constant 3 : i32
      %broadcast_in_dim3A_53 = vector.broadcast %broadcast_in_dim3A_52 : i32 to vector<16xi32>
      %gather3A_54 = tpu.vector_load_idx %arg11[%add3A_28, %broadcast_in_dim3A_53] : memref<512x32xf32, #tpu.memory_space<vmem>>[vector<16xi32>, vector<16xi32>], vector<16xf32>,
      %gather3A_55 = tpu.vector_load_idx %arg12[%add3A_28, %broadcast_in_dim3A_53] : memref<512x32xf32, #tpu.memory_space<vmem>>[vector<16xi32>, vector<16xi32>], vector<16xf32>,
      %gather3A_56 = tpu.vector_load_idx %arg13[%add3A_28, %broadcast_in_dim3A_53] : memref<512x32xf32, #tpu.memory_space<vmem>>[vector<16xi32>, vector<16xi32>], vector<16xf32>,
      %sub3A_57 = arith.subf %gather3A_55, %gather3A_56 : vector<16xf32>
      %mul3A_58 = arith.mulf %gather3A_54, %sub3A_57 : vector<16xf32>
      %add3A_59 = arith.addf %add3A_51, %mul3A_58 : vector<16xf32>
      %broadcast_in_dim3A_60 = arith.constant 4 : i32
      %broadcast_in_dim3A_61 = vector.broadcast %broadcast_in_dim3A_60 : i32 to vector<16xi32>
      %gather3A_62 = tpu.vector_load_idx %arg11[%add3A_28, %broadcast_in_dim3A_61] : memref<512x32xf32, #tpu.memory_space<vmem>>[vector<16xi32>, vector<16xi32>], vector<16xf32>,
      %gather3A_63 = tpu.vector_load_idx %arg12[%add3A_28, %broadcast_in_dim3A_61] : memref<512x32xf32, #tpu.memory_space<vmem>>[vector<16xi32>, vector<16xi32>], vector<16xf32>,
      %gather3A_64 = tpu.vector_load_idx %arg13[%add3A_28, %broadcast_in_dim3A_61] : memref<512x32xf32, #tpu.memory_space<vmem>>[vector<16xi32>, vector<16xi32>], vector<16xf32>,
      %sub3A_65 = arith.subf %gather3A_63, %gather3A_64 : vector<16xf32>
      %mul3A_66 = arith.mulf %gather3A_62, %sub3A_65 : vector<16xf32>
      %add3A_67 = arith.addf %add3A_59, %mul3A_66 : vector<16xf32>
      %broadcast_in_dim3A_68 = arith.constant 5 : i32
      %broadcast_in_dim3A_69 = vector.broadcast %broadcast_in_dim3A_68 : i32 to vector<16xi32>
      %gather3A_70 = tpu.vector_load_idx %arg11[%add3A_28, %broadcast_in_dim3A_69] : memref<512x32xf32, #tpu.memory_space<vmem>>[vector<16xi32>, vector<16xi32>], vector<16xf32>,
      %gather3A_71 = tpu.vector_load_idx %arg12[%add3A_28, %broadcast_in_dim3A_69] : memref<512x32xf32, #tpu.memory_space<vmem>>[vector<16xi32>, vector<16xi32>], vector<16xf32>,
      %gather3A_72 = tpu.vector_load_idx %arg13[%add3A_28, %broadcast_in_dim3A_69] : memref<512x32xf32, #tpu.memory_space<vmem>>[vector<16xi32>, vector<16xi32>], vector<16xf32>,
      %sub3A_73 = arith.subf %gather3A_71, %gather3A_72 : vector<16xf32>
      %mul3A_74 = arith.mulf %gather3A_70, %sub3A_73 : vector<16xf32>
      %add3A_75 = arith.addf %add3A_67, %mul3A_74 : vector<16xf32>
      %broadcast_in_dim3A_76 = arith.constant 6 : i32
      %broadcast_in_dim3A_77 = vector.broadcast %broadcast_in_dim3A_76 : i32 to vector<16xi32>
      %gather3A_78 = tpu.vector_load_idx %arg11[%add3A_28, %broadcast_in_dim3A_77] : memref<512x32xf32, #tpu.memory_space<vmem>>[vector<16xi32>, vector<16xi32>], vector<16xf32>,
      %gather3A_79 = tpu.vector_load_idx %arg12[%add3A_28, %broadcast_in_dim3A_77] : memref<512x32xf32, #tpu.memory_space<vmem>>[vector<16xi32>, vector<16xi32>], vector<16xf32>,
      %gather3A_80 = tpu.vector_load_idx %arg13[%add3A_28, %broadcast_in_dim3A_77] : memref<512x32xf32, #tpu.memory_space<vmem>>[vector<16xi32>, vector<16xi32>], vector<16xf32>,
      %sub3A_81 = arith.subf %gather3A_79, %gather3A_80 : vector<16xf32>
      %mul3A_82 = arith.mulf %gather3A_78, %sub3A_81 : vector<16xf32>
      %add3A_83 = arith.addf %add3A_75, %mul3A_82 : vector<16xf32>
      %broadcast_in_dim3A_84 = arith.constant 7 : i32
      %broadcast_in_dim3A_85 = vector.broadcast %broadcast_in_dim3A_84 : i32 to vector<16xi32>
      %gather3A_86 = tpu.vector_load_idx %arg11[%add3A_28, %broadcast_in_dim3A_85] : memref<512x32xf32, #tpu.memory_space<vmem>>[vector<16xi32>, vector<16xi32>], vector<16xf32>,
      %gather3A_87 = tpu.vector_load_idx %arg12[%add3A_28, %broadcast_in_dim3A_85] : memref<512x32xf32, #tpu.memory_space<vmem>>[vector<16xi32>, vector<16xi32>], vector<16xf32>,
      %gather3A_88 = tpu.vector_load_idx %arg13[%add3A_28, %broadcast_in_dim3A_85] : memref<512x32xf32, #tpu.memory_space<vmem>>[vector<16xi32>, vector<16xi32>], vector<16xf32>,
      %sub3A_89 = arith.subf %gather3A_87, %gather3A_88 : vector<16xf32>
      %mul3A_90 = arith.mulf %gather3A_86, %sub3A_89 : vector<16xf32>
      %add3A_91 = arith.addf %add3A_83, %mul3A_90 : vector<16xf32>
      %broadcast_in_dim3A_92 = arith.constant 8 : i32
      %broadcast_in_dim3A_93 = vector.broadcast %broadcast_in_dim3A_92 : i32 to vector<16xi32>
      %gather3A_94 = tpu.vector_load_idx %arg11[%add3A_28, %broadcast_in_dim3A_93] : memref<512x32xf32, #tpu.memory_space<vmem>>[vector<16xi32>, vector<16xi32>], vector<16xf32>,
      %gather3A_95 = tpu.vector_load_idx %arg12[%add3A_28, %broadcast_in_dim3A_93] : memref<512x32xf32, #tpu.memory_space<vmem>>[vector<16xi32>, vector<16xi32>], vector<16xf32>,
      %gather3A_96 = tpu.vector_load_idx %arg13[%add3A_28, %broadcast_in_dim3A_93] : memref<512x32xf32, #tpu.memory_space<vmem>>[vector<16xi32>, vector<16xi32>], vector<16xf32>,
      %sub3A_97 = arith.subf %gather3A_95, %gather3A_96 : vector<16xf32>
      %mul3A_98 = arith.mulf %gather3A_94, %sub3A_97 : vector<16xf32>
      %add3A_99 = arith.addf %add3A_91, %mul3A_98 : vector<16xf32>
      %broadcast_in_dim3A_100 = arith.constant 9 : i32
      %broadcast_in_dim3A_101 = vector.broadcast %broadcast_in_dim3A_100 : i32 to vector<16xi32>
      %gather3A_102 = tpu.vector_load_idx %arg11[%add3A_28, %broadcast_in_dim3A_101] : memref<512x32xf32, #tpu.memory_space<vmem>>[vector<16xi32>, vector<16xi32>], vector<16xf32>,
      %gather3A_103 = tpu.vector_load_idx %arg12[%add3A_28, %broadcast_in_dim3A_101] : memref<512x32xf32, #tpu.memory_space<vmem>>[vector<16xi32>, vector<16xi32>], vector<16xf32>,
      %gather3A_104 = tpu.vector_load_idx %arg13[%add3A_28, %broadcast_in_dim3A_101] : memref<512x32xf32, #tpu.memory_space<vmem>>[vector<16xi32>, vector<16xi32>], vector<16xf32>,
      %sub3A_105 = arith.subf %gather3A_103, %gather3A_104 : vector<16xf32>
      %mul3A_106 = arith.mulf %gather3A_102, %sub3A_105 : vector<16xf32>
      %add3A_107 = arith.addf %add3A_99, %mul3A_106 : vector<16xf32>
      %broadcast_in_dim3A_108 = arith.constant 10 : i32
      %broadcast_in_dim3A_109 = vector.broadcast %broadcast_in_dim3A_108 : i32 to vector<16xi32>
      %gather3A_110 = tpu.vector_load_idx %arg11[%add3A_28, %broadcast_in_dim3A_109] : memref<512x32xf32, #tpu.memory_space<vmem>>[vector<16xi32>, vector<16xi32>], vector<16xf32>,
      %gather3A_111 = tpu.vector_load_idx %arg12[%add3A_28, %broadcast_in_dim3A_109] : memref<512x32xf32, #tpu.memory_space<vmem>>[vector<16xi32>, vector<16xi32>], vector<16xf32>,
      %gather3A_112 = tpu.vector_load_idx %arg13[%add3A_28, %broadcast_in_dim3A_109] : memref<512x32xf32, #tpu.memory_space<vmem>>[vector<16xi32>, vector<16xi32>], vector<16xf32>,
      %sub3A_113 = arith.subf %gather3A_111, %gather3A_112 : vector<16xf32>
      %mul3A_114 = arith.mulf %gather3A_110, %sub3A_113 : vector<16xf32>
      %add3A_115 = arith.addf %add3A_107, %mul3A_114 : vector<16xf32>
      %broadcast_in_dim3A_116 = arith.constant 11 : i32
      %broadcast_in_dim3A_117 = vector.broadcast %broadcast_in_dim3A_116 : i32 to vector<16xi32>
      %gather3A_118 = tpu.vector_load_idx %arg11[%add3A_28, %broadcast_in_dim3A_117] : memref<512x32xf32, #tpu.memory_space<vmem>>[vector<16xi32>, vector<16xi32>], vector<16xf32>,
      %gather3A_119 = tpu.vector_load_idx %arg12[%add3A_28, %broadcast_in_dim3A_117] : memref<512x32xf32, #tpu.memory_space<vmem>>[vector<16xi32>, vector<16xi32>], vector<16xf32>,
      %gather3A_120 = tpu.vector_load_idx %arg13[%add3A_28, %broadcast_in_dim3A_117] : memref<512x32xf32, #tpu.memory_space<vmem>>[vector<16xi32>, vector<16xi32>], vector<16xf32>,
      %sub3A_121 = arith.subf %gather3A_119, %gather3A_120 : vector<16xf32>
      %mul3A_122 = arith.mulf %gather3A_118, %sub3A_121 : vector<16xf32>
      %add3A_123 = arith.addf %add3A_115, %mul3A_122 : vector<16xf32>
      %broadcast_in_dim3A_124 = arith.constant 12 : i32
      %broadcast_in_dim3A_125 = vector.broadcast %broadcast_in_dim3A_124 : i32 to vector<16xi32>
      %gather3A_126 = tpu.vector_load_idx %arg11[%add3A_28, %broadcast_in_dim3A_125] : memref<512x32xf32, #tpu.memory_space<vmem>>[vector<16xi32>, vector<16xi32>], vector<16xf32>,
      %gather3A_127 = tpu.vector_load_idx %arg12[%add3A_28, %broadcast_in_dim3A_125] : memref<512x32xf32, #tpu.memory_space<vmem>>[vector<16xi32>, vector<16xi32>], vector<16xf32>,
      %gather3A_128 = tpu.vector_load_idx %arg13[%add3A_28, %broadcast_in_dim3A_125] : memref<512x32xf32, #tpu.memory_space<vmem>>[vector<16xi32>, vector<16xi32>], vector<16xf32>,
      %sub3A_129 = arith.subf %gather3A_127, %gather3A_128 : vector<16xf32>
      %mul3A_130 = arith.mulf %gather3A_126, %sub3A_129 : vector<16xf32>
      %add3A_131 = arith.addf %add3A_123, %mul3A_130 : vector<16xf32>
      %broadcast_in_dim3A_132 = arith.constant 13 : i32
      %broadcast_in_dim3A_133 = vector.broadcast %broadcast_in_dim3A_132 : i32 to vector<16xi32>
      %gather3A_134 = tpu.vector_load_idx %arg11[%add3A_28, %broadcast_in_dim3A_133] : memref<512x32xf32, #tpu.memory_space<vmem>>[vector<16xi32>, vector<16xi32>], vector<16xf32>,
      %gather3A_135 = tpu.vector_load_idx %arg12[%add3A_28, %broadcast_in_dim3A_133] : memref<512x32xf32, #tpu.memory_space<vmem>>[vector<16xi32>, vector<16xi32>], vector<16xf32>,
      %gather3A_136 = tpu.vector_load_idx %arg13[%add3A_28, %broadcast_in_dim3A_133] : memref<512x32xf32, #tpu.memory_space<vmem>>[vector<16xi32>, vector<16xi32>], vector<16xf32>,
      %sub3A_137 = arith.subf %gather3A_135, %gather3A_136 : vector<16xf32>
      %mul3A_138 = arith.mulf %gather3A_134, %sub3A_137 : vector<16xf32>
      %add3A_139 = arith.addf %add3A_131, %mul3A_138 : vector<16xf32>
      %broadcast_in_dim3A_140 = arith.constant 14 : i32
      %broadcast_in_dim3A_141 = vector.broadcast %broadcast_in_dim3A_140 : i32 to vector<16xi32>
      %gather3A_142 = tpu.vector_load_idx %arg11[%add3A_28, %broadcast_in_dim3A_141] : memref<512x32xf32, #tpu.memory_space<vmem>>[vector<16xi32>, vector<16xi32>], vector<16xf32>,
      %gather3A_143 = tpu.vector_load_idx %arg12[%add3A_28, %broadcast_in_dim3A_141] : memref<512x32xf32, #tpu.memory_space<vmem>>[vector<16xi32>, vector<16xi32>], vector<16xf32>,
      %gather3A_144 = tpu.vector_load_idx %arg13[%add3A_28, %broadcast_in_dim3A_141] : memref<512x32xf32, #tpu.memory_space<vmem>>[vector<16xi32>, vector<16xi32>], vector<16xf32>,
      %sub3A_145 = arith.subf %gather3A_143, %gather3A_144 : vector<16xf32>
      %mul3A_146 = arith.mulf %gather3A_142, %sub3A_145 : vector<16xf32>
      %add3A_147 = arith.addf %add3A_139, %mul3A_146 : vector<16xf32>
      %broadcast_in_dim3A_148 = arith.constant 15 : i32
      %broadcast_in_dim3A_149 = vector.broadcast %broadcast_in_dim3A_148 : i32 to vector<16xi32>
      %gather3A_150 = tpu.vector_load_idx %arg11[%add3A_28, %broadcast_in_dim3A_149] : memref<512x32xf32, #tpu.memory_space<vmem>>[vector<16xi32>, vector<16xi32>], vector<16xf32>,
      %gather3A_151 = tpu.vector_load_idx %arg12[%add3A_28, %broadcast_in_dim3A_149] : memref<512x32xf32, #tpu.memory_space<vmem>>[vector<16xi32>, vector<16xi32>], vector<16xf32>,
      %gather3A_152 = tpu.vector_load_idx %arg13[%add3A_28, %broadcast_in_dim3A_149] : memref<512x32xf32, #tpu.memory_space<vmem>>[vector<16xi32>, vector<16xi32>], vector<16xf32>,
      %sub3A_153 = arith.subf %gather3A_151, %gather3A_152 : vector<16xf32>
      %mul3A_154 = arith.mulf %gather3A_150, %sub3A_153 : vector<16xf32>
      %add3A_155 = arith.addf %add3A_147, %mul3A_154 : vector<16xf32>
      %broadcast_in_dim3A_156 = arith.constant 16 : i32
      %broadcast_in_dim3A_157 = vector.broadcast %broadcast_in_dim3A_156 : i32 to vector<16xi32>
      %gather3A_158 = tpu.vector_load_idx %arg11[%add3A_28, %broadcast_in_dim3A_157] : memref<512x32xf32, #tpu.memory_space<vmem>>[vector<16xi32>, vector<16xi32>], vector<16xf32>,
      %gather3A_159 = tpu.vector_load_idx %arg12[%add3A_28, %broadcast_in_dim3A_157] : memref<512x32xf32, #tpu.memory_space<vmem>>[vector<16xi32>, vector<16xi32>], vector<16xf32>,
      %gather3A_160 = tpu.vector_load_idx %arg13[%add3A_28, %broadcast_in_dim3A_157] : memref<512x32xf32, #tpu.memory_space<vmem>>[vector<16xi32>, vector<16xi32>], vector<16xf32>,
      %sub3A_161 = arith.subf %gather3A_159, %gather3A_160 : vector<16xf32>
      %mul3A_162 = arith.mulf %gather3A_158, %sub3A_161 : vector<16xf32>
      %add3A_163 = arith.addf %add3A_155, %mul3A_162 : vector<16xf32>
      %broadcast_in_dim3A_164 = arith.constant 17 : i32
      %broadcast_in_dim3A_165 = vector.broadcast %broadcast_in_dim3A_164 : i32 to vector<16xi32>
      %gather3A_166 = tpu.vector_load_idx %arg11[%add3A_28, %broadcast_in_dim3A_165] : memref<512x32xf32, #tpu.memory_space<vmem>>[vector<16xi32>, vector<16xi32>], vector<16xf32>,
      %gather3A_167 = tpu.vector_load_idx %arg12[%add3A_28, %broadcast_in_dim3A_165] : memref<512x32xf32, #tpu.memory_space<vmem>>[vector<16xi32>, vector<16xi32>], vector<16xf32>,
      %gather3A_168 = tpu.vector_load_idx %arg13[%add3A_28, %broadcast_in_dim3A_165] : memref<512x32xf32, #tpu.memory_space<vmem>>[vector<16xi32>, vector<16xi32>], vector<16xf32>,
      %sub3A_169 = arith.subf %gather3A_167, %gather3A_168 : vector<16xf32>
      %mul3A_170 = arith.mulf %gather3A_166, %sub3A_169 : vector<16xf32>
      %add3A_171 = arith.addf %add3A_163, %mul3A_170 : vector<16xf32>
      %broadcast_in_dim3A_172 = arith.constant 18 : i32
      %broadcast_in_dim3A_173 = vector.broadcast %broadcast_in_dim3A_172 : i32 to vector<16xi32>
      %gather3A_174 = tpu.vector_load_idx %arg11[%add3A_28, %broadcast_in_dim3A_173] : memref<512x32xf32, #tpu.memory_space<vmem>>[vector<16xi32>, vector<16xi32>], vector<16xf32>,
      %gather3A_175 = tpu.vector_load_idx %arg12[%add3A_28, %broadcast_in_dim3A_173] : memref<512x32xf32, #tpu.memory_space<vmem>>[vector<16xi32>, vector<16xi32>], vector<16xf32>,
      %gather3A_176 = tpu.vector_load_idx %arg13[%add3A_28, %broadcast_in_dim3A_173] : memref<512x32xf32, #tpu.memory_space<vmem>>[vector<16xi32>, vector<16xi32>], vector<16xf32>,
      %sub3A_177 = arith.subf %gather3A_175, %gather3A_176 : vector<16xf32>
      %mul3A_178 = arith.mulf %gather3A_174, %sub3A_177 : vector<16xf32>
      %add3A_179 = arith.addf %add3A_171, %mul3A_178 : vector<16xf32>
      %broadcast_in_dim3A_180 = arith.constant 19 : i32
      %broadcast_in_dim3A_181 = vector.broadcast %broadcast_in_dim3A_180 : i32 to vector<16xi32>
      %gather3A_182 = tpu.vector_load_idx %arg11[%add3A_28, %broadcast_in_dim3A_181] : memref<512x32xf32, #tpu.memory_space<vmem>>[vector<16xi32>, vector<16xi32>], vector<16xf32>,
      %gather3A_183 = tpu.vector_load_idx %arg12[%add3A_28, %broadcast_in_dim3A_181] : memref<512x32xf32, #tpu.memory_space<vmem>>[vector<16xi32>, vector<16xi32>], vector<16xf32>,
      %gather3A_184 = tpu.vector_load_idx %arg13[%add3A_28, %broadcast_in_dim3A_181] : memref<512x32xf32, #tpu.memory_space<vmem>>[vector<16xi32>, vector<16xi32>], vector<16xf32>,
      %sub3A_185 = arith.subf %gather3A_183, %gather3A_184 : vector<16xf32>
      %mul3A_186 = arith.mulf %gather3A_182, %sub3A_185 : vector<16xf32>
      %add3A_187 = arith.addf %add3A_179, %mul3A_186 : vector<16xf32>
      %broadcast_in_dim3A_188 = arith.constant 20 : i32
      %broadcast_in_dim3A_189 = vector.broadcast %broadcast_in_dim3A_188 : i32 to vector<16xi32>
      %gather3A_190 = tpu.vector_load_idx %arg11[%add3A_28, %broadcast_in_dim3A_189] : memref<512x32xf32, #tpu.memory_space<vmem>>[vector<16xi32>, vector<16xi32>], vector<16xf32>,
      %gather3A_191 = tpu.vector_load_idx %arg12[%add3A_28, %broadcast_in_dim3A_189] : memref<512x32xf32, #tpu.memory_space<vmem>>[vector<16xi32>, vector<16xi32>], vector<16xf32>,
      %gather3A_192 = tpu.vector_load_idx %arg13[%add3A_28, %broadcast_in_dim3A_189] : memref<512x32xf32, #tpu.memory_space<vmem>>[vector<16xi32>, vector<16xi32>], vector<16xf32>,
      %sub3A_193 = arith.subf %gather3A_191, %gather3A_192 : vector<16xf32>
      %mul3A_194 = arith.mulf %gather3A_190, %sub3A_193 : vector<16xf32>
      %add3A_195 = arith.addf %add3A_187, %mul3A_194 : vector<16xf32>
      %broadcast_in_dim3A_196 = arith.constant 21 : i32
      %broadcast_in_dim3A_197 = vector.broadcast %broadcast_in_dim3A_196 : i32 to vector<16xi32>
      %gather3A_198 = tpu.vector_load_idx %arg11[%add3A_28, %broadcast_in_dim3A_197] : memref<512x32xf32, #tpu.memory_space<vmem>>[vector<16xi32>, vector<16xi32>], vector<16xf32>,
      %gather3A_199 = tpu.vector_load_idx %arg12[%add3A_28, %broadcast_in_dim3A_197] : memref<512x32xf32, #tpu.memory_space<vmem>>[vector<16xi32>, vector<16xi32>], vector<16xf32>,
      %gather3A_200 = tpu.vector_load_idx %arg13[%add3A_28, %broadcast_in_dim3A_197] : memref<512x32xf32, #tpu.memory_space<vmem>>[vector<16xi32>, vector<16xi32>], vector<16xf32>,
      %sub3A_201 = arith.subf %gather3A_199, %gather3A_200 : vector<16xf32>
      %mul3A_202 = arith.mulf %gather3A_198, %sub3A_201 : vector<16xf32>
      %add3A_203 = arith.addf %add3A_195, %mul3A_202 : vector<16xf32>
      %broadcast_in_dim3A_204 = arith.constant 22 : i32
      %broadcast_in_dim3A_205 = vector.broadcast %broadcast_in_dim3A_204 : i32 to vector<16xi32>
      %gather3A_206 = tpu.vector_load_idx %arg11[%add3A_28, %broadcast_in_dim3A_205] : memref<512x32xf32, #tpu.memory_space<vmem>>[vector<16xi32>, vector<16xi32>], vector<16xf32>,
      %gather3A_207 = tpu.vector_load_idx %arg12[%add3A_28, %broadcast_in_dim3A_205] : memref<512x32xf32, #tpu.memory_space<vmem>>[vector<16xi32>, vector<16xi32>], vector<16xf32>,
      %gather3A_208 = tpu.vector_load_idx %arg13[%add3A_28, %broadcast_in_dim3A_205] : memref<512x32xf32, #tpu.memory_space<vmem>>[vector<16xi32>, vector<16xi32>], vector<16xf32>,
      %sub3A_209 = arith.subf %gather3A_207, %gather3A_208 : vector<16xf32>
      %mul3A_210 = arith.mulf %gather3A_206, %sub3A_209 : vector<16xf32>
      %add3A_211 = arith.addf %add3A_203, %mul3A_210 : vector<16xf32>
      %broadcast_in_dim3A_212 = arith.constant 23 : i32
      %broadcast_in_dim3A_213 = vector.broadcast %broadcast_in_dim3A_212 : i32 to vector<16xi32>
      %gather3A_214 = tpu.vector_load_idx %arg11[%add3A_28, %broadcast_in_dim3A_213] : memref<512x32xf32, #tpu.memory_space<vmem>>[vector<16xi32>, vector<16xi32>], vector<16xf32>,
      %gather3A_215 = tpu.vector_load_idx %arg12[%add3A_28, %broadcast_in_dim3A_213] : memref<512x32xf32, #tpu.memory_space<vmem>>[vector<16xi32>, vector<16xi32>], vector<16xf32>,
      %gather3A_216 = tpu.vector_load_idx %arg13[%add3A_28, %broadcast_in_dim3A_213] : memref<512x32xf32, #tpu.memory_space<vmem>>[vector<16xi32>, vector<16xi32>], vector<16xf32>,
      %sub3A_217 = arith.subf %gather3A_215, %gather3A_216 : vector<16xf32>
      %mul3A_218 = arith.mulf %gather3A_214, %sub3A_217 : vector<16xf32>
      %add3A_219 = arith.addf %add3A_211, %mul3A_218 : vector<16xf32>
      %broadcast_in_dim3A_220 = arith.constant 24 : i32
      %broadcast_in_dim3A_221 = vector.broadcast %broadcast_in_dim3A_220 : i32 to vector<16xi32>
      %gather3A_222 = tpu.vector_load_idx %arg11[%add3A_28, %broadcast_in_dim3A_221] : memref<512x32xf32, #tpu.memory_space<vmem>>[vector<16xi32>, vector<16xi32>], vector<16xf32>,
      %gather3A_223 = tpu.vector_load_idx %arg12[%add3A_28, %broadcast_in_dim3A_221] : memref<512x32xf32, #tpu.memory_space<vmem>>[vector<16xi32>, vector<16xi32>], vector<16xf32>,
      %gather3A_224 = tpu.vector_load_idx %arg13[%add3A_28, %broadcast_in_dim3A_221] : memref<512x32xf32, #tpu.memory_space<vmem>>[vector<16xi32>, vector<16xi32>], vector<16xf32>,
      %sub3A_225 = arith.subf %gather3A_223, %gather3A_224 : vector<16xf32>
      %mul3A_226 = arith.mulf %gather3A_222, %sub3A_225 : vector<16xf32>
      %add3A_227 = arith.addf %add3A_219, %mul3A_226 : vector<16xf32>
      %broadcast_in_dim3A_228 = arith.constant 25 : i32
      %broadcast_in_dim3A_229 = vector.broadcast %broadcast_in_dim3A_228 : i32 to vector<16xi32>
      %gather3A_230 = tpu.vector_load_idx %arg11[%add3A_28, %broadcast_in_dim3A_229] : memref<512x32xf32, #tpu.memory_space<vmem>>[vector<16xi32>, vector<16xi32>], vector<16xf32>,
      %gather3A_231 = tpu.vector_load_idx %arg12[%add3A_28, %broadcast_in_dim3A_229] : memref<512x32xf32, #tpu.memory_space<vmem>>[vector<16xi32>, vector<16xi32>], vector<16xf32>,
      %gather3A_232 = tpu.vector_load_idx %arg13[%add3A_28, %broadcast_in_dim3A_229] : memref<512x32xf32, #tpu.memory_space<vmem>>[vector<16xi32>, vector<16xi32>], vector<16xf32>,
      %sub3A_233 = arith.subf %gather3A_231, %gather3A_232 : vector<16xf32>
      %mul3A_234 = arith.mulf %gather3A_230, %sub3A_233 : vector<16xf32>
      %add3A_235 = arith.addf %add3A_227, %mul3A_234 : vector<16xf32>
      %broadcast_in_dim3A_236 = arith.constant 26 : i32
      %broadcast_in_dim3A_237 = vector.broadcast %broadcast_in_dim3A_236 : i32 to vector<16xi32>
      %gather3A_238 = tpu.vector_load_idx %arg11[%add3A_28, %broadcast_in_dim3A_237] : memref<512x32xf32, #tpu.memory_space<vmem>>[vector<16xi32>, vector<16xi32>], vector<16xf32>,
      %gather3A_239 = tpu.vector_load_idx %arg12[%add3A_28, %broadcast_in_dim3A_237] : memref<512x32xf32, #tpu.memory_space<vmem>>[vector<16xi32>, vector<16xi32>], vector<16xf32>,
      %gather3A_240 = tpu.vector_load_idx %arg13[%add3A_28, %broadcast_in_dim3A_237] : memref<512x32xf32, #tpu.memory_space<vmem>>[vector<16xi32>, vector<16xi32>], vector<16xf32>,
      %sub3A_241 = arith.subf %gather3A_239, %gather3A_240 : vector<16xf32>
      %mul3A_242 = arith.mulf %gather3A_238, %sub3A_241 : vector<16xf32>
      %add3A_243 = arith.addf %add3A_235, %mul3A_242 : vector<16xf32>
      %broadcast_in_dim3A_244 = arith.constant 27 : i32
      %broadcast_in_dim3A_245 = vector.broadcast %broadcast_in_dim3A_244 : i32 to vector<16xi32>
      %gather3A_246 = tpu.vector_load_idx %arg11[%add3A_28, %broadcast_in_dim3A_245] : memref<512x32xf32, #tpu.memory_space<vmem>>[vector<16xi32>, vector<16xi32>], vector<16xf32>,
      %gather3A_247 = tpu.vector_load_idx %arg12[%add3A_28, %broadcast_in_dim3A_245] : memref<512x32xf32, #tpu.memory_space<vmem>>[vector<16xi32>, vector<16xi32>], vector<16xf32>,
      %gather3A_248 = tpu.vector_load_idx %arg13[%add3A_28, %broadcast_in_dim3A_245] : memref<512x32xf32, #tpu.memory_space<vmem>>[vector<16xi32>, vector<16xi32>], vector<16xf32>,
      %sub3A_249 = arith.subf %gather3A_247, %gather3A_248 : vector<16xf32>
      %mul3A_250 = arith.mulf %gather3A_246, %sub3A_249 : vector<16xf32>
      %add3A_251 = arith.addf %add3A_243, %mul3A_250 : vector<16xf32>
      %broadcast_in_dim3A_252 = arith.constant 28 : i32
      %broadcast_in_dim3A_253 = vector.broadcast %broadcast_in_dim3A_252 : i32 to vector<16xi32>
      %gather3A_254 = tpu.vector_load_idx %arg11[%add3A_28, %broadcast_in_dim3A_253] : memref<512x32xf32, #tpu.memory_space<vmem>>[vector<16xi32>, vector<16xi32>], vector<16xf32>,
      %gather3A_255 = tpu.vector_load_idx %arg12[%add3A_28, %broadcast_in_dim3A_253] : memref<512x32xf32, #tpu.memory_space<vmem>>[vector<16xi32>, vector<16xi32>], vector<16xf32>,
      %gather3A_256 = tpu.vector_load_idx %arg13[%add3A_28, %broadcast_in_dim3A_253] : memref<512x32xf32, #tpu.memory_space<vmem>>[vector<16xi32>, vector<16xi32>], vector<16xf32>,
      %sub3A_257 = arith.subf %gather3A_255, %gather3A_256 : vector<16xf32>
      %mul3A_258 = arith.mulf %gather3A_254, %sub3A_257 : vector<16xf32>
      %add3A_259 = arith.addf %add3A_251, %mul3A_258 : vector<16xf32>
      %broadcast_in_dim3A_260 = arith.constant 29 : i32
      %broadcast_in_dim3A_261 = vector.broadcast %broadcast_in_dim3A_260 : i32 to vector<16xi32>
      %gather3A_262 = tpu.vector_load_idx %arg11[%add3A_28, %broadcast_in_dim3A_261] : memref<512x32xf32, #tpu.memory_space<vmem>>[vector<16xi32>, vector<16xi32>], vector<16xf32>,
      %gather3A_263 = tpu.vector_load_idx %arg12[%add3A_28, %broadcast_in_dim3A_261] : memref<512x32xf32, #tpu.memory_space<vmem>>[vector<16xi32>, vector<16xi32>], vector<16xf32>,
      %gather3A_264 = tpu.vector_load_idx %arg13[%add3A_28, %broadcast_in_dim3A_261] : memref<512x32xf32, #tpu.memory_space<vmem>>[vector<16xi32>, vector<16xi32>], vector<16xf32>,
      %sub3A_265 = arith.subf %gather3A_263, %gather3A_264 : vector<16xf32>
      %mul3A_266 = arith.mulf %gather3A_262, %sub3A_265 : vector<16xf32>
      %add3A_267 = arith.addf %add3A_259, %mul3A_266 : vector<16xf32>
      %broadcast_in_dim3A_268 = arith.constant 30 : i32
      %broadcast_in_dim3A_269 = vector.broadcast %broadcast_in_dim3A_268 : i32 to vector<16xi32>
      %gather3A_270 = tpu.vector_load_idx %arg11[%add3A_28, %broadcast_in_dim3A_269] : memref<512x32xf32, #tpu.memory_space<vmem>>[vector<16xi32>, vector<16xi32>], vector<16xf32>,
      %gather3A_271 = tpu.vector_load_idx %arg12[%add3A_28, %broadcast_in_dim3A_269] : memref<512x32xf32, #tpu.memory_space<vmem>>[vector<16xi32>, vector<16xi32>], vector<16xf32>,
      %gather3A_272 = tpu.vector_load_idx %arg13[%add3A_28, %broadcast_in_dim3A_269] : memref<512x32xf32, #tpu.memory_space<vmem>>[vector<16xi32>, vector<16xi32>], vector<16xf32>,
      %sub3A_273 = arith.subf %gather3A_271, %gather3A_272 : vector<16xf32>
      %mul3A_274 = arith.mulf %gather3A_270, %sub3A_273 : vector<16xf32>
      %add3A_275 = arith.addf %add3A_267, %mul3A_274 : vector<16xf32>
      %broadcast_in_dim3A_276 = arith.constant 31 : i32
      %broadcast_in_dim3A_277 = vector.broadcast %broadcast_in_dim3A_276 : i32 to vector<16xi32>
      %gather3A_278 = tpu.vector_load_idx %arg11[%add3A_28, %broadcast_in_dim3A_277] : memref<512x32xf32, #tpu.memory_space<vmem>>[vector<16xi32>, vector<16xi32>], vector<16xf32>,
      %gather3A_279 = tpu.vector_load_idx %arg12[%add3A_28, %broadcast_in_dim3A_277] : memref<512x32xf32, #tpu.memory_space<vmem>>[vector<16xi32>, vector<16xi32>], vector<16xf32>,
      %gather3A_280 = tpu.vector_load_idx %arg13[%add3A_28, %broadcast_in_dim3A_277] : memref<512x32xf32, #tpu.memory_space<vmem>>[vector<16xi32>, vector<16xi32>], vector<16xf32>,
      %sub3A_281 = arith.subf %gather3A_279, %gather3A_280 : vector<16xf32>
      %mul3A_282 = arith.mulf %gather3A_278, %sub3A_281 : vector<16xf32>
      %add3A_283 = arith.addf %add3A_275, %mul3A_282 : vector<16xf32>
      tpu.vector_store_idx %arg14[%add3A_28], %add3A_283 : memref<512xf32, #tpu.memory_space<vmem>>[vector<16xi32>], vector<16xf32>,
    }
    %scan3A_23 = arith.constant 32 : i32
    "tpu.region"() ({
      %run_scoped3A = tpu.sem_alloc : memref<!tpu.dma_semaphore, #tpu.memory_space<semaphore_mem>>
      %dma_start3A_24 = tpu.memref_slice %arg7[%mul3A_2] : memref<16384xf32, #tpu.memory_space<hbm>> -> memref<512xf32, #tpu.memory_space<hbm>>
      %dma_start3A_25 = tpu.memref_slice %arg7[%mul3A_2] : memref<16384xf32, #tpu.memory_space<hbm>> -> memref<512xf32, #tpu.memory_space<hbm>>
      tpu.enqueue_dma source(%arg14 : memref<512xf32, #tpu.memory_space<vmem>>) target(%dma_start3A_25 : memref<512xf32, #tpu.memory_space<hbm>>) target_semaphore(%run_scoped3A : memref<!tpu.dma_semaphore, #tpu.memory_space<semaphore_mem>>)
      %dma_wait3A_26 = tpu.memref_slice %arg7[%mul3A_2] : memref<16384xf32, #tpu.memory_space<hbm>> -> memref<512xf32, #tpu.memory_space<hbm>>
      %dma_wait3A_27 = tpu.memref_slice %arg7[%mul3A_2] : memref<16384xf32, #tpu.memory_space<hbm>> -> memref<512xf32, #tpu.memory_space<hbm>>
      tpu.wait_dma2 semaphore(%run_scoped3A : memref<!tpu.dma_semaphore, #tpu.memory_space<semaphore_mem>>) src(%arg14 : memref<512xf32, #tpu.memory_space<vmem>>) dst(%dma_wait3A_27 : memref<512xf32, #tpu.memory_space<hbm>>)
      tpu.yield
    }) : () -> ()
    return
  }
}

module attributes {stable_mosaic.version = 14 : i64} {
  func.func @body(%arg0: memref<128x128xf32, #tpu.memory_space<vmem>>, %arg1: memref<1x1xf32, #tpu.memory_space<smem>>) attributes {dimension_semantics = [], scalar_prefetch = 0 : i64, scratch_operands = 0 : i64, tpu.core_type = #tpu.core_type<tc>} {
    %get3A = arith.constant 0 : index
    %get3A_0 = arith.constant 0 : index
    %get3A_1 = vector.load %arg0[%get3A, %get3A_0] : memref<128x128xf32, #tpu.memory_space<vmem>>, vector<128x128xf32>
    %min3A = arith.constant 0.000000e+00 : f32
    %min3A_2 = vector.broadcast %min3A : f32 to vector<128x128xf32>
    %min3A_3 = arith.minimumf %get3A_1, %min3A_2 : vector<128x128xf32>
    %abs3A = math.absf %get3A_1 : vector<128x128xf32>
    %neg3A = arith.constant 0.000000e+00 : f32
    %neg3A_4 = vector.broadcast %neg3A : f32 to vector<128x128xf32>
    %neg3A_5 = arith.subf %neg3A_4, %abs3A : vector<128x128xf32>
    %exp3A = math.exp %neg3A_5 : vector<128x128xf32>
    %log1p3A = math.log1p %exp3A : vector<128x128xf32>
    %sub3A = arith.subf %min3A_3, %log1p3A : vector<128x128xf32>
    %reduce_sum3A = vector.shape_cast %sub3A : vector<128x128xf32> to vector<1x128x128xf32>
    %reduce_sum3A_6 = arith.constant dense<0.000000e+00> : vector<1xf32>
    %reduce_sum3A_7 = vector.multi_reduction <add>, %reduce_sum3A, %reduce_sum3A_6 [1, 2] : vector<1x128x128xf32> to vector<1xf32>
    %reduce_sum3A_8 = vector.shape_cast %reduce_sum3A_7 : vector<1xf32> to vector<1x1x1xf32>
    %reduce_sum3A_9 = vector.extract %reduce_sum3A_8[0, 0, 0] : f32 from vector<1x1x1xf32>
    %div3A = arith.constant 1.638400e+04 : f32
    %div3A_10 = arith.divf %reduce_sum3A_9, %div3A : f32
    %neg3A_11 = arith.constant 0.000000e+00 : f32
    %neg3A_12 = arith.subf %neg3A_11, %div3A_10 : f32
    %swap3A = arith.constant 0 : index
    %swap3A_13 = arith.constant 0 : index
    %swap3A_14 = memref.load %arg1[%swap3A, %swap3A_13] : memref<1x1xf32, #tpu.memory_space<smem>>
    memref.store %neg3A_12, %arg1[%swap3A, %swap3A_13] : memref<1x1xf32, #tpu.memory_space<smem>>
    return
  }
}

</mosaic_0001>

<sc_bundles>
// kernel: kernel.4.cloned.1.call-start
scs
__scs_entry_jumppad:
0x0: {  	(pc) =	sbr.rel $0x88, $3  }
0x1: {  	(tag) =	ssettag $0x0;
	lr =	simm.s32 $0x1  }
0x2: {  	[smem:$0x3F9D] =	sst lr;
	_ =	strace $0xD0000000  }
0x3: {  	_ = 	snop  }
0x4: {  	_ = 	snop  }
0x5: {  	_ = 	snop  }
0x6: {  	_ = 	snop  }
0x7: {  	_ = 	snop  }
__scs_overlays_trampoline_lowered:
0x8: {  	[smem:$0x3FAC] =	sst s0  }
0x9: {  	[smem:$0x3FAD] =	sst s1  }
0xa: {  	[smem:$0x3FAE] =	sst s2  }
0xb: {  	[smem:$0x3FAF] =	sst s3  }
0xc: {  	[smem:$0x3FB0] =	sst s4  }
0xd: {  	[smem:$0x3FB1] =	sst s5  }
0xe: {  	[smem:$0x3FB2] =	sst s6  }
0xf: {  	[smem:$0x3FB3] =	sst s7  }
0x10: {  	[smem:$0x3FB4] =	sst s8  }
0x11: {  	[smem:$0x3FB5] =	sst s9;
	s0 =	simm.s32 @!p0 $0x0  }
0x12: {  	s1 =	sld [smem:$0x3F9B];
	s0 =	simm.s32 @p0 $0x1  }
0x13: {  	[smem:$0x3FB6] =	sst s0;
	s0 =	simm.s32 @!p1 $0x0  }
0x14: {  	s2 =	sld [smem:$0x3F9A];
	s0 =	simm.s32 @p1 $0x1  }
0x15: {  	[smem:$0x3FB7] =	sst s0;
	s0 =	simm.s32 @!p2 $0x0  }
0x16: {  	s3 =	sld [smem:$0x3FDB];
	s0 =	simm.s32 @p2 $0x1  }
0x17: {  	s4 =	simm.s32 $0x1BF5;
	[smem:$0x3FB9] =	sst s0  }
0x18: {  	s0 =	sld [smem:$0x3F9C];
	_ =	swait.ge [sflag:s4], $0x0  }
0x19: {  	s7 =	sld [smem:$0x3F9D]  }
0x1a: {  	s8 =	sadd.s32 $0xFFFFE003, lr  }
0x1b: {  	s9 =	sadd.s32 $0xFFFFFEF7, lr;
	s5 =	simm.s32 $0xFFFFFFFF;
	p2 =	slt.u32 s8, $0xFFFFF086  }
0x1c: {  	p1 =	slt.u32 s9, $0xF7A;
	s5 =	simm.s32 @!p2 $0x0  }
0x1d: {  	s5 =	simm.s32 @p1 $0x1;
	p0 =	seq.s32 s7, s2  }
0x1e: {  	s7 =	smul.u32 @!p0 $0xF7A, s2;
	p2 =	seq.s32 @!p0 s5, $0x0  }
0x1f: {  	s9 =	smul.u32 $0xF7A, s1;
	s8 =	simm.s32 @!p0 $0x1BF5;
	p2 =	por !p2, p0  }
0x20: {  	[sflag:s8] =	ssyncset.s32 @!p0 $0xFFFFF086;
	s6 =	sadd.s32 @!p0 s3, s7;
	s7 =	simm.s32 @!p0 $0x108  }
0x21: {  	s3 =	sadd.s32 s3, s9;
	s6 =	sadd.s32 @!p0 $0x88, s6;
	s7 =	simm.s32 @p2 $0x1082  }
0x22: {  	[simem:s7], [sflag:s8] =	dma.local @!p0 [hbm:s6], $0xF7A  }
0x23: {  	s9 =	sor.u32 $0xD0000000, s2;
	s6 =	simm.s32 $0x108;
	_ =	swait.ge @!p0 [sflag:s8], $0x0  }
0x24: {  	s3 =	sadd.s32 $0x88, s3;
	s6 =	simm.s32 @!p1 $0x1082;
	[sflag:s4] =	ssyncset.s32 $0xFFFFF086  }
0x25: {  	[simem:s6], [sflag:s4] =	dma.local [hbm:s3], $0xF7A  }
0x26: {  	[smem:$0x3F9D] =	sst s1;
	(tag) =	ssettag s2;
	_ =	strace s9  }
0x27: {  	s1 =	sld [smem:$0x3FAD]  }
0x28: {  	s2 =	sld [smem:$0x3FAE]  }
0x29: {  	s4 =	sld [smem:$0x3FB0]  }
0x2a: {  	p0 =	seq.s32 s5, $0x0;
	s5 =	sld [smem:$0x3FB1]  }
0x2b: {  	s6 =	sld [smem:$0x3FB2]  }
0x2c: {  	s7 =	sld [smem:$0x3FB3]  }
0x2d: {  	s3 =	simm.s32 $0x108;
	s8 =	sld [smem:$0x3FB4]  }
0x2e: {  	s3 =	simm.s32 @!p0 $0x1082;
	s9 =	sld [smem:$0x3FB5]  }
0x2f: {  	lr =	sadd.s32 s0, s3;
	s0 =	sld [smem:$0x3FAC]  }
0x30: {  	s3 =	sld [smem:$0x3FAF]  }
0x31: {  	[smem:$0x3FB8] =	sst s10  }
0x32: {  	s10 =	sld [smem:$0x3FB6];
	_ =	sdelay $0x3  }
0x33: {  	p0 =	seq.s32 s10, $0x1;
	s10 =	sld [smem:$0x3FB8];
	_ =	sdelay $0x3  }
0x34: {  	[smem:$0x3FB8] =	sst s10  }
0x35: {  	s10 =	sld [smem:$0x3FB7];
	_ =	sdelay $0x3  }
0x36: {  	p1 =	seq.s32 s10, $0x1;
	s10 =	sld [smem:$0x3FB8];
	_ =	sdelay $0x3  }
0x37: {  	[smem:$0x3FB8] =	sst s10  }
0x38: {  	s10 =	sld [smem:$0x3FB9]  }
0x39: {  	_ = 	snop;
	(pc) =	sbr.ind lr, $3  }
0x3a: {  	_ = 	snop  }
0x3b: {  	_ = 	snop  }
0x3c: {  	p2 =	seq.s32 s10, $0x1;
	s10 =	sld [smem:$0x3FB8]  }
0x3d: {  	_ =	shalt  }
0x3e: {  	_ =	shalt  }
0x3f: {  	_ =	shalt  }
0x40: {  	_ =	shalt  }
0x41: {  	_ =	shalt  }
0x42: {  	_ =	shalt  }
0x43: {  	_ =	shalt  }
0x44: {  	_ =	shalt  }
0x45: {  	_ =	shalt  }
0x46: {  	_ =	shalt  }
0x47: {  	_ =	shalt  }
0x48: {  	_ =	shalt  }
0x49: {  	_ =	shalt  }
0x4a: {  	_ =	shalt  }
0x4b: {  	_ =	shalt  }
0x4c: {  	_ =	shalt  }
0x4d: {  	_ =	shalt  }
0x4e: {  	_ =	shalt  }
0x4f: {  	_ =	shalt  }
0x50: {  	_ =	shalt  }
0x51: {  	_ =	shalt  }
0x52: {  	_ =	shalt  }
0x53: {  	_ =	shalt  }
0x54: {  	_ =	shalt  }
0x55: {  	_ =	shalt  }
0x56: {  	_ =	shalt  }
0x57: {  	_ =	shalt  }
0x58: {  	_ =	shalt  }
0x59: {  	_ =	shalt  }
0x5a: {  	_ =	shalt  }
0x5b: {  	_ =	shalt  }
0x5c: {  	_ =	shalt  }
0x5d: {  	_ =	shalt  }
0x5e: {  	_ =	shalt  }
0x5f: {  	_ =	shalt  }
0x60: {  	_ =	shalt  }
0x61: {  	_ =	shalt  }
0x62: {  	_ =	shalt  }
0x63: {  	_ =	shalt  }
0x64: {  	_ =	shalt  }
0x65: {  	_ =	shalt  }
0x66: {  	_ =	shalt  }
0x67: {  	_ =	shalt  }
0x68: {  	_ =	shalt  }
0x69: {  	_ =	shalt  }
0x6a: {  	_ =	shalt  }
0x6b: {  	_ =	shalt  }
0x6c: {  	_ =	shalt  }
0x6d: {  	_ =	shalt  }
0x6e: {  	_ =	shalt  }
0x6f: {  	_ =	shalt  }
0x70: {  	_ =	shalt  }
0x71: {  	_ =	shalt  }
0x72: {  	_ =	shalt  }
0x73: {  	_ =	shalt  }
0x74: {  	_ =	shalt  }
0x75: {  	_ =	shalt  }
0x76: {  	_ =	shalt  }
0x77: {  	_ =	shalt  }
0x78: {  	_ =	shalt  }
0x79: {  	_ =	shalt  }
0x7a: {  	_ =	shalt  }
0x7b: {  	_ =	shalt  }
0x7c: {  	_ =	shalt  }
0x7d: {  	_ =	shalt  }
0x7e: {  	_ =	shalt  }
0x7f: {  	_ =	shalt  }
0x80: {  	_ =	shalt  }
0x81: {  	_ =	shalt  }
0x82: {  	_ =	shalt  }
0x83: {  	_ =	shalt  }
0x84: {  	_ =	shalt  }
0x85: {  	_ =	shalt  }
0x86: {  	_ =	shalt  }
0x87: {  	_ =	shalt  }
.Lfunc_end0:
.L_simem_size_0:
called_computation_lowered:
.L_overlay_start_0:
0x88: {  	s2 =	sld [smem:$0x3FD9]  }
0x89: {  	s3 =	sld [smem:$0x3FFE];
	_ =	sdelay $0x1  }
0x8a: {  	s1 =	srdreg.scid  }
0x8b: {  	s0 =	sand.u32 $0x1, s1  }
0x8c: {  	s17 =	sshll.u32 s0, $0xA;
	s2 =	sadd.s32 s3, s2  }
0x8d: {  	s2 =	sadd.s32 s2, s17  }
0x8e: {  	[smem:$0x3FC4] =	sst s2  }
0x8f: {  	_ = 	snop  }
0x90: {  	s2 =	sld [smem:$0x3FC8];
	(tm) =	ssettm $0x1  }
0x91: {  	s18 =	sld [smem:$0x3FFB];
	_ =	sdelay $0x3  }
0x92: {  	_ =	strace s18  }
0x93: {  	s3 =	sld [smem:$0x3FFC];
	_ =	sdelay $0x3  }
0x94: {  	_ =	strace s3  }
0x95: {  	s3 =	sld [smem:$0x3FFD];
	_ =	sdelay $0x3  }
0x96: {  	_ =	strace s3  }
0x97: {  	_ =	strace $0x8FFFFFFF  }
0x98: {  	s19 =	sld [smem:$0x3FDB];
	_ =	sdelay $0x1  }
0x99: {  	s4 =	simm.s32 $_scs_section_size  }
0x9a: {  	s5 =	simm.s32 $_size__tile_overlayer_lowered;
	s6 =	simm.s32 $_tile_overlayer_lowered  }
0x9b: {  	s22 =	simm.s32 $0x1BFF;
	s21 =	sshll.u32 s6, $0x1;
	s3 =	sadd.s32 s4, s19  }
0x9c: {  	s7 =	simm.s32 $0x0;
	s20 =	sshll.u32 s5, $0x1;
	s5 =	sadd.s32 s21, s3  }
0x9d: {  	[timem:s7], [sflag:s22] =	dma.local [hbm:s5], s20  }
0x9e: {  	_ =	swait.ge [sflag:s22], s20  }
0x9f: {  	s4 =	ssub.s32 $0x0, s20;
	[sflag:s22] =	ssyncset.done $0x0  }
0xa0: {  	[sflag:s22] =	ssyncadd.s32 s4;
	_ =	sdelay $0x1  }
0xa1: {  	s23 =	simm.s32 $0x1B8B  }
0xa2: {  	_ =	swait.ge [sflag:s23], $0x1  }
0xa3: {  	[sflag:s23] =	ssyncset.done $0x0  }
0xa4: {  	s25 =	simm.s32 $0x1B8E;
	s24 =	sld [smem:$0x3FFE];
	[sflag:s23] =	ssyncadd.s32 $0xFFFFFFFF  }
0xa5: {  	s26 =	simm.s32 $execute0_lowered;
	[smem:$0x3FD2] =	sst s25  }
0xa6: {  	s5 =	sshll.u32 s26, $0x1;
	_ =	strace $0x80000046;
	[dreg:$0x1] =	wrdreg $0xFFFFFFFF  }
0xa7: {  	s28 =	simm.s32 $_size_execute0_lowered;
	s3 =	sadd.s32 s3, s5;
	[dreg:$0x0] =	wrdreg $0x0  }
0xa8: {  	s5 =	sshll.u32 s28, $0x1;
	[dreg:$0x2] =	wrdreg s3  }
0xa9: {  	[dreg:$0x3] =	wrdreg s5  }
0xaa: {  	[dreg:$0x4] =	wrdreg $0xC0  }
0xab: {  	_ =	task [dreg:s7], $0x5FFFF  }
0xac: {  	[dreg:$0x1] =	wrdreg $0xFFFFFFFF  }
0xad: {  	[dreg:$0x0] =	wrdreg $0x60  }
0xae: {  	[dreg:$0x2] =	wrdreg s24  }
0xaf: {  	[dreg:$0x3] =	wrdreg s2  }
0xb0: {  	[dreg:$0x4] =	wrdreg $0x9  }
0xb1: {  	_ =	task.clear_ibuf [dreg:s7], $0x5FFFF;
	_ =	strace $0x90000046  }
0xb2: {  	s29 =	simm.s32 $0x9;
	_ =	strace $0x80000048  }
0xb3: {  	_ =	swait.ge [sflag:s29], $0x1  }
0xb4: {  	[sflag:s29] =	ssyncadd.s32 $0xFFFFFFFF  }
0xb5: {  	_ =	strace $0x90000048  }
0xb6: {  	_ =	sfence  }
0xb7: {  	s30 =	sld [smem:$0x0];
	_ =	sdelay $0x2  }
0xb8: {  	s31 =	sshll.u32 s1, $0xD;
	s1 =	sshrl.u32 s1, $0x2  }
0xb9: {  	s3 =	sand.u32 $0x4000, s31;
	s1 =	sadd.s32 s1, s30  }
0xba: {  	s0 =	sor.u32 s3, s0;
	s1 =	sshll.u32 s1, $0x11  }
0xbb: {  	s0 =	sor.u32 s1, s0  }
0xbc: {  	s0 =	sadd.s32 $0x8F2B, s0  }
0xbd: {  	[sflag:s0] =	ssyncadd.remote.s32 $0x1  }
0xbe: {  	_ =	sfence.sel $0xFFFF  }
0xbf: {  	[dreg:$0x0] =	wrdreg $0xFFFFFFFF;
	(pc) =	sbr.abs _section_cstart, $3  }
0xc0: {  	[dreg:$0x1] =	wrdreg $0xFFFFFFFF  }
0xc1: {  	_ =	task.clear_ibuf [dreg:s7], $0x2FFFF;
	_ =	strace $0x9FFFFFFF  }
0xc2: {  	(tm) =	ssettm $0x7FFFFFFF  }
0xc3: {  	_ =	shalt  }
tec
execute0_lowered:
.L_overlay_start_1:
0x0: {  	(tag) =	ssettag $0x1  }
0x1: {  	s5 =	rddreg [dreg:$0x0]  }
0x2: {  	s7 =	rddreg [dreg:$0x1]  }
0x3: {  	s0 =	rddreg [dreg:$0x2];
	s2 =	simm.s32 $0x0;
	s3 =	srdreg.scid  }
0x4: {  	s1 =	stileid.u32;
	s11 =	simm.s32 $0x200;
	s12 =	simm.s32 $0x400  }
0x5: {  	s13 =	simm.s32 $0x600;
	s14 =	simm.s32 $0x4600;
	s15 =	simm.s32 $0x8600  }
0x6: {  	s16 =	simm.s32 $0x1;
	s17 =	simm.s32 $0xC600;
	s18 =	simm.s32 $0x0  }
0x7: {  	[smem:$0x7FF] =	sst s2;
	s4 =	sand.u32 $0x1, s3;
	s6 =	sshll.u32 s1, $0x7  }
0x8: {  	s3 =	sadd.s32 $0xF43C00, s5;
	s8 =	sshll.u32 s4, $0x6;
	s30 =	ssub.s32 $0x2, s4  }
0x9: {  	_ =	strace $0x80000047;
	s8 =	sor.u32 s8, s6;
	s31 =	sshrl.u32 s30, $0x1  }
0xa: {  	v63 =	vlaneseq.u32;
	s4 =	sadd.s32 $0x1314600, s5;
	s9 =	sadd.s32 s8, s5;
	s10 =	ssub.s32 s30, s31  }
0xb: {  	v0 =	vor.u32 $0xFFFFFFF8, v63;
	s7 =	sadd.s32 s7, s8;
	s5 =	sadd.s32 $0x1000, s9;
	s6 =	sadd.s32 $0x800, s9  }
0xc: {  	[tilespmem:$0x1FFF0] =	vst v0;
	s8 =	sadd.s32 $0x1800, s9;
	s9 =	smax.u32 s10, $0x1;
	s10 =	simm.s32 $0x2  }
.LBB2_1:
0xd: {  	[tilespmem:s2], [sflag:$0x2] =	stream.linear.gather [hbm4b:s5+s2], $0x200, $0x38;
	[tilespmem:$0xC800] =	vst v63  }
0xe: {  	_ =	swait.ge [sflag:s10], $0x200  }
0xf: {  	[sflag:s10] =	ssyncset.done $0x0  }
0x10: {  	[sflag:s10] =	ssyncadd.s32 $0xFFFFFE00  }
0x11: {  	[tilespmem:s11], [sflag:$0x2] =	stream.linear.gather [hbm4b:s6+s2], $0x200, $0x38;
	[tilespmem:$0xC800] =	vst v63  }
0x12: {  	_ =	swait.ge [sflag:s10], $0x200  }
0x13: {  	[sflag:s10] =	ssyncset.done $0x0  }
0x14: {  	[sflag:s10] =	ssyncadd.s32 $0xFFFFFE00  }
0x15: {  	[tilespmem:s12], [sflag:$0x2] =	stream.linear.gather [hbm4b:s7+s2], $0x200, $0x38;
	[tilespmem:$0xC800] =	vst v63  }
0x16: {  	_ =	swait.ge [sflag:s10], $0x200  }
0x17: {  	[sflag:s10] =	ssyncset.done $0x0  }
0x18: {  	[sflag:s10] =	ssyncadd.s32 $0xFFFFFE00  }
0x19: {  	[tilespmem:s13], [sflag:$0x1] =	stream.indirect.gather [hbm4b:s3+s11], $0x20, s2, s11, $0xb8;
	[tilespmem:$0xC800] =	vst v63  }
0x1a: {  	_ = 	snop  }
0x1b: {  	[tilespmem:s14], [sflag:$0x1] =	stream.indirect.gather [hbm4b:s4+s11], $0x20, s11, s11, $0xb8;
	[tilespmem:$0xC800] =	vst v63  }
0x1c: {  	_ = 	snop  }
0x1d: {  	[tilespmem:s15], [sflag:$0x1] =	stream.indirect.gather [hbm4b:s4+s11], $0x20, s12, s11, $0xb8;
	[tilespmem:$0xC800] =	vst v63  }
0x1e: {  	_ =	swait.ge [sflag:s16], $0x4000  }
0x1f: {  	[sflag:s16] =	ssyncset.done $0x0  }
0x20: {  	v0 =	vor.u32 s2, v63;
	[sflag:s16] =	ssyncadd.s32 $0xFFFFC000  }
0x21: {  	v8 =	vshll.u32 v0, $0x5;
	_ =	swait.ge [sflag:s16], $0x4000  }
0x22: {  	v4 =	vor.u32 $0x1E, v8;
	[sflag:s16] =	ssyncset.done $0x0  }
0x23: {  	v7 =	vor.u32 $0x1D, v8;
	[tilespmem:$0x1FFB0] =	vst v0;
	[sflag:s16] =	ssyncadd.s32 $0xFFFFC000  }
0x24: {  	v10 =	vor.u32 $0x1C, v8;
	_ =	swait.ge [sflag:s16], $0x4000  }
0x25: {  	v12 =	vor.u32 $0x1B, v8;
	[sflag:s16] =	ssyncset.done $0x0  }
0x26: {  	v14 =	vor.u32 $0x1A, v8;
	[sflag:s16] =	ssyncadd.s32 $0xFFFFC000  }
0x27: {  	v15 =	vor.u32 $0x19, v8;
	v61 =	vld.idx.msk [tilespmem:v4+s13+$0x0], $0xffff  }
0x28: {  	v17 =	vor.u32 $0x18, v8;
	v62 =	vld.idx.msk [tilespmem:v7+s13+$0x0], $0xffff  }
0x29: {  	v19 =	vor.u32 $0x17, v8;
	v63 =	vld.idx.msk [tilespmem:v10+s13+$0x0], $0xffff  }
0x2a: {  	v21 =	vor.u32 $0x16, v8;
	v9 =	vld.idx.msk [tilespmem:v12+s13+$0x0], $0xffff  }
0x2b: {  	v23 =	vor.u32 $0x15, v8;
	v11 =	vld.idx.msk [tilespmem:v14+s13+$0x0], $0xffff  }
0x2c: {  	v25 =	vor.u32 $0x14, v8;
	v13 =	vld.idx.msk [tilespmem:v15+s13+$0x0], $0xffff  }
0x2d: {  	v27 =	vor.u32 $0x13, v8;
	v16 =	vld.idx.msk [tilespmem:v17+s13+$0x0], $0xffff  }
0x2e: {  	v29 =	vor.u32 $0x12, v8;
	v18 =	vld.idx.msk [tilespmem:v19+s13+$0x0], $0xffff  }
0x2f: {  	v31 =	vor.u32 $0x11, v8;
	v20 =	vld.idx.msk [tilespmem:v21+s13+$0x0], $0xffff  }
0x30: {  	v33 =	vor.u32 $0x10, v8;
	v22 =	vld.idx.msk [tilespmem:v23+s13+$0x0], $0xffff  }
0x31: {  	v35 =	vor.u32 $0xF, v8;
	v24 =	vld.idx.msk [tilespmem:v25+s13+$0x0], $0xffff  }
0x32: {  	v37 =	vor.u32 $0xE, v8;
	v26 =	vld.idx.msk [tilespmem:v27+s13+$0x0], $0xffff  }
0x33: {  	v39 =	vor.u32 $0xD, v8;
	v28 =	vld.idx.msk [tilespmem:v29+s13+$0x0], $0xffff  }
0x34: {  	v41 =	vor.u32 $0xC, v8;
	v30 =	vld.idx.msk [tilespmem:v31+s13+$0x0], $0xffff  }
0x35: {  	v43 =	vor.u32 $0xB, v8;
	v32 =	vld.idx.msk [tilespmem:v33+s13+$0x0], $0xffff  }
0x36: {  	v45 =	vor.u32 $0xA, v8;
	v34 =	vld.idx.msk [tilespmem:v35+s13+$0x0], $0xffff  }
0x37: {  	v47 =	vor.u32 $0x9, v8;
	v36 =	vld.idx.msk [tilespmem:v37+s13+$0x0], $0xffff  }
0x38: {  	v50 =	vor.u32 $0x8, v8;
	v38 =	vld.idx.msk [tilespmem:v39+s13+$0x0], $0xffff  }
0x39: {  	v52 =	vor.u32 $0x7, v8;
	v40 =	vld.idx.msk [tilespmem:v41+s13+$0x0], $0xffff  }
0x3a: {  	v54 =	vor.u32 $0x6, v8;
	v42 =	vld.idx.msk [tilespmem:v43+s13+$0x0], $0xffff  }
0x3b: {  	v56 =	vor.u32 $0x5, v8;
	v44 =	vld.idx.msk [tilespmem:v45+s13+$0x0], $0xffff  }
0x3c: {  	v57 =	vor.u32 $0x4, v8;
	v46 =	vld.idx.msk [tilespmem:v47+s13+$0x0], $0xffff  }
0x3d: {  	v48 =	vld.idx.msk [tilespmem:v50+s13+$0x0], $0xffff  }
0x3e: {  	v49 =	vld.idx.msk [tilespmem:v52+s13+$0x0], $0xffff  }
0x3f: {  	v51 =	vld.idx.msk [tilespmem:v54+s13+$0x0], $0xffff;
	[tilespmem:$0x1FFC0] =	vst v61  }
0x40: {  	v53 =	vld.idx.msk [tilespmem:v56+s13+$0x0], $0xffff;
	[tilespmem:$0x1FFD0] =	vst v62  }
0x41: {  	s19 =	simm.s32 $0x10;
	v58 =	vor.u32 $0x3, v8;
	v59 =	vor.u32 $0x2, v8;
	v60 =	vor.u32 $0x1, v8;
	v55 =	vld.idx.msk [tilespmem:v57+s13+$0x0], $0xffff;
	[tilespmem:$0x1FFE0] =	vst v63  }
.LBB2_2:
0x42: {  	_ =	sdelay $0x3  }
0x43: {  	v61 =	vld.idx.msk [tilespmem:v58+s13+$0x0], $0xffff  }
0x44: {  	v62 =	vld.idx.msk [tilespmem:v59+s13+$0x0], $0xffff  }
0x45: {  	v63 =	vld.idx.msk [tilespmem:v60+s13+$0x0], $0xffff  }
0x46: {  	v0 =	vld.idx.msk [tilespmem:v8+s13+$0x0], $0xffff  }
0x47: {  	v1 =	vld.idx.msk [tilespmem:v8+s14+$0x0], $0xffff  }
0x48: {  	v2 =	vld.idx.msk [tilespmem:v8+s15+$0x0], $0xffff  }
0x49: {  	v3 =	vld.idx.msk [tilespmem:v60+s14+$0x0], $0xffff  }
0x4a: {  	v60 =	vld.idx.msk [tilespmem:v60+s15+$0x0], $0xffff  }
0x4b: {  	v5 =	vld.idx.msk [tilespmem:v59+s14+$0x0], $0xffff  }
0x4c: {  	v59 =	vld.idx.msk [tilespmem:v59+s15+$0x0], $0xffff  }
0x4d: {  	v6 =	vld.idx.msk [tilespmem:v58+s14+$0x0], $0xffff  }
0x4e: {  	v1 =	vsub.f32 v1, v2;
	v2 =	vld.idx.msk [tilespmem:v58+s15+$0x0], $0xffff  }
0x4f: {  	v58 =	vld.idx.msk [tilespmem:v57+s14+$0x0], $0xffff  }
0x50: {  	v60 =	vsub.f32 v3, v60;
	v3 =	vld.idx.msk [tilespmem:v57+s15+$0x0], $0xffff  }
0x51: {  	v57 =	vld.idx.msk [tilespmem:v56+s14+$0x0], $0xffff;
	v0 =	vmul.f32 v1, v0  }
0x52: {  	v5 =	vsub.f32 v5, v59;
	v56 =	vld.idx.msk [tilespmem:v56+s15+$0x0], $0xffff  }
0x53: {  	v59 =	vld.idx.msk [tilespmem:v54+s14+$0x0], $0xffff;
	v1 =	vmul.f32 v60, v63;
	v0 =	vadd.f32 $0.0e+00, v0  }
0x54: {  	v60 =	vmul.f32 v5, v62;
	v5 =	vld.idx.msk [tilespmem:v54+s15+$0x0], $0xffff  }
0x55: {  	v54 =	vld.idx.msk [tilespmem:v47+s14+$0x0], $0xffff;
	v2 =	vsub.f32 v6, v2;
	v0 =	vadd.f32 v1, v0  }
0x56: {  	v6 =	vld.idx.msk [tilespmem:v52+s14+$0x0], $0xffff  }
0x57: {  	v62 =	vmul.f32 v2, v61;
	v0 =	vadd.f32 v60, v0;
	v60 =	vsub.f32 v58, v3;
	v3 =	vld.idx.msk [tilespmem:v52+s15+$0x0], $0xffff  }
0x58: {  	v52 =	vld.idx.msk [tilespmem:v50+s14+$0x0], $0xffff  }
0x59: {  	v0 =	vadd.f32 v62, v0;
	v62 =	vsub.f32 v57, v56;
	v57 =	vld.idx.msk [tilespmem:v50+s15+$0x0], $0xffff  }
0x5a: {  	v61 =	vmul.f32 v60, v55;
	v60 =	vsub.f32 v59, v5;
	v5 =	vld.idx.msk [tilespmem:v47+s15+$0x0], $0xffff  }
0x5b: {  	v47 =	vld.idx.msk [tilespmem:v45+s14+$0x0], $0xffff  }
0x5c: {  	v55 =	vld.idx.msk [tilespmem:v43+s15+$0x0], $0xffff  }
0x5d: {  	v56 =	vld.idx.msk [tilespmem:v41+s14+$0x0], $0xffff;
	v0 =	vadd.f32 v61, v0;
	v58 =	vmul.f32 v62, v53  }
0x5e: {  	v59 =	vld.idx.msk [tilespmem:v39+s14+$0x0], $0xffff  }
0x5f: {  	v61 =	vmul.f32 v60, v51;
	v62 =	vsub.f32 v6, v3;
	v3 =	vld.idx.msk [tilespmem:v45+s15+$0x0], $0xffff;
	v0 =	vadd.f32 v58, v0  }
0x60: {  	v6 =	vld.idx.msk [tilespmem:v43+s14+$0x0], $0xffff;
	v53 =	vsub.f32 v52, v57  }
0x61: {  	v51 =	vmul.f32 v62, v49;
	v58 =	vsub.f32 v54, v5;
	v5 =	vld.idx.msk [tilespmem:v41+s15+$0x0], $0xffff;
	v0 =	vadd.f32 v61, v0  }
0x62: {  	v62 =	vld.idx.msk [tilespmem:v37+s14+$0x0], $0xffff  }
0x63: {  	v54 =	vld.idx.msk [tilespmem:v31+s14+$0x0], $0xffff;
	v57 =	vmul.f32 v53, v48;
	v0 =	vadd.f32 v51, v0  }
0x64: {  	v61 =	vsub.f32 v47, v3;
	v3 =	vld.idx.msk [tilespmem:v39+s15+$0x0], $0xffff  }
0x65: {  	v60 =	vmul.f32 v58, v46;
	v47 =	vsub.f32 v6, v55;
	v6 =	vld.idx.msk [tilespmem:v37+s15+$0x0], $0xffff;
	v0 =	vadd.f32 v57, v0  }
0x66: {  	v48 =	vld.idx.msk [tilespmem:v35+s14+$0x0], $0xffff  }
0x67: {  	v46 =	vmul.f32 v61, v44;
	v50 =	vsub.f32 v56, v5;
	v5 =	vld.idx.msk [tilespmem:v35+s15+$0x0], $0xffff;
	v0 =	vadd.f32 v60, v0  }
0x68: {  	v51 =	vld.idx.msk [tilespmem:v33+s14+$0x0], $0xffff  }
0x69: {  	v49 =	vmul.f32 v47, v42;
	v53 =	vsub.f32 v59, v3;
	v3 =	vld.idx.msk [tilespmem:v33+s15+$0x0], $0xffff;
	v0 =	vadd.f32 v46, v0  }
0x6a: {  	v56 =	vsub.f32 v62, v6;
	v6 =	vld.idx.msk [tilespmem:v31+s15+$0x0], $0xffff  }
0x6b: {  	v52 =	vmul.f32 v50, v40;
	v31 =	vld.idx.msk [tilespmem:v29+s14+$0x0], $0xffff;
	v0 =	vadd.f32 v49, v0  }
0x6c: {  	v58 =	vsub.f32 v48, v5;
	v5 =	vld.idx.msk [tilespmem:v29+s15+$0x0], $0xffff  }
0x6d: {  	v55 =	vmul.f32 v53, v38;
	v29 =	vld.idx.msk [tilespmem:v27+s14+$0x0], $0xffff;
	v0 =	vadd.f32 v52, v0  }
0x6e: {  	v60 =	vsub.f32 v51, v3;
	v3 =	vld.idx.msk [tilespmem:v27+s15+$0x0], $0xffff  }
0x6f: {  	v57 =	vmul.f32 v56, v36;
	v27 =	vld.idx.msk [tilespmem:v25+s14+$0x0], $0xffff;
	v0 =	vadd.f32 v55, v0  }
0x70: {  	v62 =	vsub.f32 v54, v6;
	v6 =	vld.idx.msk [tilespmem:v25+s15+$0x0], $0xffff  }
0x71: {  	v59 =	vmul.f32 v58, v34;
	v25 =	vld.idx.msk [tilespmem:v23+s14+$0x0], $0xffff;
	v0 =	vadd.f32 v57, v0  }
0x72: {  	v33 =	vsub.f32 v31, v5;
	v5 =	vld.idx.msk [tilespmem:v23+s15+$0x0], $0xffff  }
0x73: {  	v61 =	vmul.f32 v60, v32;
	v23 =	vld.idx.msk [tilespmem:v21+s14+$0x0], $0xffff;
	v0 =	vadd.f32 v59, v0  }
0x74: {  	v35 =	vsub.f32 v29, v3;
	v3 =	vld.idx.msk [tilespmem:v21+s15+$0x0], $0xffff  }
0x75: {  	v32 =	vmul.f32 v62, v30;
	v21 =	vld.idx.msk [tilespmem:v19+s14+$0x0], $0xffff;
	v0 =	vadd.f32 v61, v0  }
0x76: {  	v37 =	vsub.f32 v27, v6;
	v6 =	vld.idx.msk [tilespmem:v19+s15+$0x0], $0xffff  }
0x77: {  	v34 =	vmul.f32 v33, v28;
	v19 =	vld.idx.msk [tilespmem:v17+s14+$0x0], $0xffff;
	v0 =	vadd.f32 v32, v0  }
0x78: {  	v39 =	vsub.f32 v25, v5;
	v5 =	vld.idx.msk [tilespmem:v17+s15+$0x0], $0xffff  }
0x79: {  	v36 =	vmul.f32 v35, v26;
	v17 =	vld.idx.msk [tilespmem:v15+s14+$0x0], $0xffff;
	v0 =	vadd.f32 v34, v0  }
0x7a: {  	v41 =	vsub.f32 v23, v3;
	v3 =	vld.idx.msk [tilespmem:v15+s15+$0x0], $0xffff  }
0x7b: {  	v38 =	vmul.f32 v37, v24;
	v15 =	vld.idx.msk [tilespmem:v14+s14+$0x0], $0xffff;
	v0 =	vadd.f32 v36, v0  }
0x7c: {  	v43 =	vsub.f32 v21, v6;
	v6 =	vld.idx.msk [tilespmem:v14+s15+$0x0], $0xffff  }
0x7d: {  	v40 =	vmul.f32 v39, v22;
	v14 =	vld.idx.msk [tilespmem:v12+s14+$0x0], $0xffff;
	v0 =	vadd.f32 v38, v0  }
0x7e: {  	v45 =	vsub.f32 v19, v5;
	v5 =	vld.idx.msk [tilespmem:v12+s15+$0x0], $0xffff  }
0x7f: {  	v8 =	vor.u32 $0x1F, v8;
	v42 =	vmul.f32 v41, v20;
	v12 =	vld.idx.msk [tilespmem:v10+s14+$0x0], $0xffff;
	v0 =	vadd.f32 v40, v0  }
0x80: {  	v47 =	vsub.f32 v17, v3;
	v3 =	vld.idx.msk [tilespmem:v10+s15+$0x0], $0xffff  }
0x81: {  	v56 =	vld [tilespmem:$0x1FFD0];
	v44 =	vmul.f32 v43, v18;
	v0 =	vadd.f32 v42, v0  }
0x82: {  	v54 =	vld [tilespmem:$0x1FFE0]  }
0x83: {  	v46 =	vmul.f32 v45, v16;
	v10 =	vld.idx.msk [tilespmem:v7+s14+$0x0], $0xffff;
	v0 =	vadd.f32 v44, v0  }
0x84: {  	v49 =	vsub.f32 v15, v6;
	v51 =	vsub.f32 v14, v5;
	v5 =	vld.idx.msk [tilespmem:v8+s14+$0x0], $0xffff  }
0x85: {  	v48 =	vmul.f32 v47, v13;
	v53 =	vsub.f32 v12, v3;
	v3 =	vld.idx.msk [tilespmem:v8+s15+$0x0], $0xffff;
	v0 =	vadd.f32 v46, v0  }
0x86: {  	v6 =	vld.idx.msk [tilespmem:v7+s15+$0x0], $0xffff  }
0x87: {  	v7 =	vld.idx.msk [tilespmem:v4+s14+$0x0], $0xffff;
	v50 =	vmul.f32 v49, v11;
	v0 =	vadd.f32 v48, v0  }
0x88: {  	v4 =	vld.idx.msk [tilespmem:v4+s15+$0x0], $0xffff  }
0x89: {  	v58 =	vld [tilespmem:$0x1FFC0];
	v52 =	vmul.f32 v51, v9;
	v0 =	vadd.f32 v50, v0  }
0x8a: {  	v59 =	vsub.f32 v5, v3;
	v3 =	vld [tilespmem:$0x1FFF0]  }
0x8b: {  	v55 =	vsub.f32 v10, v6;
	v1 =	vmul.f32 v53, v54;
	v5 =	vld [tilespmem:$0x1FFB0];
	v0 =	vadd.f32 v52, v0  }
0x8c: {  	v6 =	vld.idx.msk [tilespmem:v8+s13+$0x0], $0xffff  }
0x8d: {  	v57 =	vsub.f32 v7, v4;
	v0 =	vadd.f32 v1, v0;
	v1 =	vmul.f32 v55, v56  }
0x8e: {  	v63 =	vlaneseq.u32  }
0x8f: {  	v4 =	vor.u32 s19, v63;
	v0 =	vadd.f32 v1, v0;
	v1 =	vmul.f32 v57, v58  }
0x90: {  	v8 =	vshll.u32 v4, $0x5;
	v3 =	vand.u32 v3, v5  }
0x91: {  	v60 =	vmul.f32 v59, v6;
	v5 =	vmovc v4;
	v4 =	vor.u32 $0x1E, v8;
	v0 =	vadd.f32 v1, v0  }
0x92: {  	v7 =	vor.u32 $0x1D, v8  }
0x93: {  	v10 =	vor.u32 $0x1C, v8;
	v0 =	vadd.f32 v60, v0  }
0x94: {  	v12 =	vor.u32 $0x1B, v8  }
0x95: {  	v14 =	vor.u32 $0x1A, v8;
	[tilespmem:v3+s17+$0x0] =	vst.idx.msk $0xffff, v0  }
0x96: {  	v15 =	vor.u32 $0x19, v8;
	v0 =	vld.idx.msk [tilespmem:v4+s13+$0x0], $0xffff  }
0x97: {  	v17 =	vor.u32 $0x18, v8;
	v61 =	vld.idx.msk [tilespmem:v7+s13+$0x0], $0xffff  }
0x98: {  	v19 =	vor.u32 $0x17, v8;
	v62 =	vld.idx.msk [tilespmem:v10+s13+$0x0], $0xffff  }
0x99: {  	v21 =	vor.u32 $0x16, v8;
	v9 =	vld.idx.msk [tilespmem:v12+s13+$0x0], $0xffff  }
0x9a: {  	v23 =	vor.u32 $0x15, v8;
	v11 =	vld.idx.msk [tilespmem:v14+s13+$0x0], $0xffff  }
0x9b: {  	v25 =	vor.u32 $0x14, v8;
	v13 =	vld.idx.msk [tilespmem:v15+s13+$0x0], $0xffff  }
0x9c: {  	v27 =	vor.u32 $0x13, v8;
	v16 =	vld.idx.msk [tilespmem:v17+s13+$0x0], $0xffff  }
0x9d: {  	v29 =	vor.u32 $0x12, v8;
	v18 =	vld.idx.msk [tilespmem:v19+s13+$0x0], $0xffff  }
0x9e: {  	v31 =	vor.u32 $0x11, v8;
	v20 =	vld.idx.msk [tilespmem:v21+s13+$0x0], $0xffff  }
0x9f: {  	v33 =	vor.u32 $0x10, v8;
	v22 =	vld.idx.msk [tilespmem:v23+s13+$0x0], $0xffff  }
0xa0: {  	v35 =	vor.u32 $0xF, v8;
	v24 =	vld.idx.msk [tilespmem:v25+s13+$0x0], $0xffff  }
0xa1: {  	v37 =	vor.u32 $0xE, v8;
	v26 =	vld.idx.msk [tilespmem:v27+s13+$0x0], $0xffff  }
0xa2: {  	v39 =	vor.u32 $0xD, v8;
	v28 =	vld.idx.msk [tilespmem:v29+s13+$0x0], $0xffff  }
0xa3: {  	v41 =	vor.u32 $0xC, v8;
	v30 =	vld.idx.msk [tilespmem:v31+s13+$0x0], $0xffff  }
0xa4: {  	v43 =	vor.u32 $0xB, v8;
	v32 =	vld.idx.msk [tilespmem:v33+s13+$0x0], $0xffff  }
0xa5: {  	v45 =	vor.u32 $0xA, v8;
	v34 =	vld.idx.msk [tilespmem:v35+s13+$0x0], $0xffff  }
0xa6: {  	v47 =	vor.u32 $0x9, v8;
	v36 =	vld.idx.msk [tilespmem:v37+s13+$0x0], $0xffff  }
0xa7: {  	v50 =	vor.u32 $0x8, v8;
	v38 =	vld.idx.msk [tilespmem:v39+s13+$0x0], $0xffff  }
0xa8: {  	v52 =	vor.u32 $0x7, v8;
	v40 =	vld.idx.msk [tilespmem:v41+s13+$0x0], $0xffff  }
0xa9: {  	v54 =	vor.u32 $0x6, v8;
	v42 =	vld.idx.msk [tilespmem:v43+s13+$0x0], $0xffff  }
0xaa: {  	v56 =	vor.u32 $0x5, v8;
	v44 =	vld.idx.msk [tilespmem:v45+s13+$0x0], $0xffff  }
0xab: {  	p0 =	sne.s32 s19, $0x1F0;
	v57 =	vor.u32 $0x4, v8;
	v46 =	vld.idx.msk [tilespmem:v47+s13+$0x0], $0xffff  }
.Ltmp0:
0xac: {  	v48 =	vld.idx.msk [tilespmem:v50+s13+$0x0], $0xffff;
	(pc) =	sbr.rel @p0 .LBB2_2-.Ltmp0, $4  }
0xad: {  	[tilespmem:$0x1FFB0] =	vst v5;
	v49 =	vld.idx.msk [tilespmem:v52+s13+$0x0], $0xffff  }
0xae: {  	v51 =	vld.idx.msk [tilespmem:v54+s13+$0x0], $0xffff;
	[tilespmem:$0x1FFC0] =	vst v0  }
0xaf: {  	v53 =	vld.idx.msk [tilespmem:v56+s13+$0x0], $0xffff;
	[tilespmem:$0x1FFD0] =	vst v61  }
0xb0: {  	s19 =	sadd.s32 $0x10, s19;
	v59 =	vor.u32 $0x2, v8;
	v58 =	vor.u32 $0x3, v8;
	v60 =	vor.u32 $0x1, v8;
	v55 =	vld.idx.msk [tilespmem:v57+s13+$0x0], $0xffff;
	[tilespmem:$0x1FFE0] =	vst v62  }
0xb1: {  	_ =	sdelay $0x3  }
0xb2: {  	v0 =	vld.idx.msk [tilespmem:v59+s13+$0x0], $0xffff  }
0xb3: {  	v1 =	vld.idx.msk [tilespmem:v60+s13+$0x0], $0xffff  }
0xb4: {  	v2 =	vld.idx.msk [tilespmem:v8+s14+$0x0], $0xffff  }
0xb5: {  	v3 =	vld.idx.msk [tilespmem:v8+s15+$0x0], $0xffff  }
0xb6: {  	v5 =	vld.idx.msk [tilespmem:v60+s14+$0x0], $0xffff  }
0xb7: {  	v6 =	vld.idx.msk [tilespmem:v60+s15+$0x0], $0xffff  }
0xb8: {  	v60 =	vld.idx.msk [tilespmem:v8+s13+$0x0], $0xffff  }
0xb9: {  	v61 =	vld.idx.msk [tilespmem:v59+s14+$0x0], $0xffff  }
0xba: {  	v59 =	vld.idx.msk [tilespmem:v59+s15+$0x0], $0xffff  }
0xbb: {  	v62 =	vld.idx.msk [tilespmem:v58+s13+$0x0], $0xffff  }
0xbc: {  	v2 =	vsub.f32 v2, v3;
	v3 =	vld.idx.msk [tilespmem:v58+s14+$0x0], $0xffff  }
0xbd: {  	v58 =	vld.idx.msk [tilespmem:v58+s15+$0x0], $0xffff  }
0xbe: {  	v5 =	vsub.f32 v5, v6;
	v6 =	vld.idx.msk [tilespmem:v57+s14+$0x0], $0xffff  }
0xbf: {  	v57 =	vld.idx.msk [tilespmem:v57+s15+$0x0], $0xffff  }
0xc0: {  	v2 =	vmul.f32 v2, v60;
	v60 =	vsub.f32 v61, v59;
	v59 =	vld.idx.msk [tilespmem:v56+s14+$0x0], $0xffff  }
0xc1: {  	v56 =	vld.idx.msk [tilespmem:v56+s15+$0x0], $0xffff  }
0xc2: {  	v1 =	vmul.f32 v5, v1;
	v5 =	vld.idx.msk [tilespmem:v54+s15+$0x0], $0xffff  }
0xc3: {  	v61 =	vsub.f32 v3, v58;
	v3 =	vld.idx.msk [tilespmem:v54+s14+$0x0], $0xffff  }
0xc4: {  	v2 =	vadd.f32 $0.0e+00, v2;
	v0 =	vmul.f32 v60, v0;
	v60 =	vsub.f32 v6, v57;
	v6 =	vld.idx.msk [tilespmem:v52+s14+$0x0], $0xffff  }
0xc5: {  	v52 =	vld.idx.msk [tilespmem:v52+s15+$0x0], $0xffff  }
0xc6: {  	v54 =	vld.idx.msk [tilespmem:v50+s14+$0x0], $0xffff;
	v1 =	vadd.f32 v1, v2  }
0xc7: {  	v58 =	vmul.f32 v61, v62;
	v61 =	vmul.f32 v60, v55;
	v55 =	vld.idx.msk [tilespmem:v50+s15+$0x0], $0xffff  }
0xc8: {  	v62 =	vsub.f32 v59, v56;
	v59 =	vld.idx.msk [tilespmem:v47+s15+$0x0], $0xffff;
	v0 =	vadd.f32 v0, v1  }
0xc9: {  	v50 =	vld.idx.msk [tilespmem:v37+s15+$0x0], $0xffff  }
0xca: {  	v56 =	vmul.f32 v62, v53;
	v62 =	vld.idx.msk [tilespmem:v45+s14+$0x0], $0xffff;
	v0 =	vadd.f32 v58, v0  }
0xcb: {  	v57 =	vsub.f32 v3, v5;
	v58 =	vld.idx.msk [tilespmem:v47+s14+$0x0], $0xffff  }
0xcc: {  	v47 =	vld.idx.msk [tilespmem:v25+s14+$0x0], $0xffff;
	v0 =	vadd.f32 v61, v0  }
0xcd: {  	v60 =	vmul.f32 v57, v51;
	v61 =	vsub.f32 v6, v52;
	v51 =	vld.idx.msk [tilespmem:v45+s15+$0x0], $0xffff  }
0xce: {  	v53 =	vsub.f32 v54, v55;
	v54 =	vld.idx.msk [tilespmem:v43+s14+$0x0], $0xffff;
	v0 =	vadd.f32 v56, v0  }
0xcf: {  	v55 =	vld.idx.msk [tilespmem:v43+s15+$0x0], $0xffff  }
0xd0: {  	v45 =	vld.idx.msk [tilespmem:v39+s15+$0x0], $0xffff;
	v52 =	vmul.f32 v61, v49;
	v0 =	vadd.f32 v60, v0  }
0xd1: {  	v43 =	vld.idx.msk [tilespmem:v27+s14+$0x0], $0xffff  }
0xd2: {  	v56 =	vmul.f32 v53, v48;
	v57 =	vsub.f32 v58, v59;
	v58 =	vld.idx.msk [tilespmem:v41+s14+$0x0], $0xffff;
	v0 =	vadd.f32 v52, v0  }
0xd3: {  	v59 =	vld.idx.msk [tilespmem:v41+s15+$0x0], $0xffff  }
0xd4: {  	v49 =	vld.idx.msk [tilespmem:v37+s14+$0x0], $0xffff;
	v60 =	vmul.f32 v57, v46;
	v61 =	vsub.f32 v62, v51;
	v0 =	vadd.f32 v56, v0  }
0xd5: {  	v62 =	vld.idx.msk [tilespmem:v39+s14+$0x0], $0xffff  }
0xd6: {  	v53 =	vld.idx.msk [tilespmem:v35+s14+$0x0], $0xffff;
	v48 =	vsub.f32 v54, v55;
	v46 =	vmul.f32 v61, v44;
	v0 =	vadd.f32 v60, v0  }
0xd7: {  	v54 =	vld.idx.msk [tilespmem:v35+s15+$0x0], $0xffff  }
0xd8: {  	v57 =	vld.idx.msk [tilespmem:v33+s14+$0x0], $0xffff;
	v51 =	vmul.f32 v48, v42;
	v52 =	vsub.f32 v58, v59;
	v0 =	vadd.f32 v46, v0  }
0xd9: {  	v39 =	vld.idx.msk [tilespmem:v29+s14+$0x0], $0xffff  }
0xda: {  	v61 =	vld.idx.msk [tilespmem:v31+s14+$0x0], $0xffff;
	v55 =	vmul.f32 v52, v40;
	v56 =	vsub.f32 v62, v45;
	v0 =	vadd.f32 v51, v0  }
0xdb: {  	v58 =	vld.idx.msk [tilespmem:v33+s15+$0x0], $0xffff  }
0xdc: {  	v44 =	vld.idx.msk [tilespmem:v27+s15+$0x0], $0xffff;
	v60 =	vsub.f32 v49, v50;
	v59 =	vmul.f32 v56, v38;
	v0 =	vadd.f32 v55, v0  }
0xdd: {  	v62 =	vld.idx.msk [tilespmem:v31+s15+$0x0], $0xffff  }
0xde: {  	v48 =	vld.idx.msk [tilespmem:v25+s15+$0x0], $0xffff;
	v37 =	vmul.f32 v60, v36;
	v38 =	vsub.f32 v53, v54;
	v0 =	vadd.f32 v59, v0  }
0xdf: {  	v40 =	vld.idx.msk [tilespmem:v29+s15+$0x0], $0xffff  }
0xe0: {  	v25 =	vld.idx.msk [tilespmem:v17+s15+$0x0], $0xffff;
	v42 =	vsub.f32 v57, v58;
	v41 =	vmul.f32 v38, v34;
	v0 =	vadd.f32 v37, v0  }
0xe1: {  	v33 =	vld.idx.msk [tilespmem:v14+s15+$0x0], $0xffff  }
0xe2: {  	v52 =	vld.idx.msk [tilespmem:v23+s15+$0x0], $0xffff;
	v45 =	vmul.f32 v42, v32;
	v46 =	vsub.f32 v61, v62;
	v0 =	vadd.f32 v41, v0  }
0xe3: {  	v29 =	vld.idx.msk [tilespmem:v15+s15+$0x0], $0xffff  }
0xe4: {  	v56 =	vld.idx.msk [tilespmem:v21+s15+$0x0], $0xffff;
	v50 =	vsub.f32 v39, v40;
	v49 =	vmul.f32 v46, v30;
	v0 =	vadd.f32 v45, v0  }
0xe5: {  	v51 =	vld.idx.msk [tilespmem:v23+s14+$0x0], $0xffff  }
0xe6: {  	v54 =	vsub.f32 v43, v44;
	v60 =	vld.idx.msk [tilespmem:v19+s15+$0x0], $0xffff;
	v53 =	vmul.f32 v50, v28;
	v0 =	vadd.f32 v49, v0  }
0xe7: {  	v55 =	vld.idx.msk [tilespmem:v21+s14+$0x0], $0xffff  }
0xe8: {  	v36 =	vld.idx.msk [tilespmem:v12+s14+$0x0], $0xffff;
	v58 =	vsub.f32 v47, v48;
	v57 =	vmul.f32 v54, v26;
	v0 =	vadd.f32 v53, v0  }
0xe9: {  	v59 =	vld.idx.msk [tilespmem:v19+s14+$0x0], $0xffff  }
0xea: {  	v61 =	vmul.f32 v58, v24;
	v24 =	vld.idx.msk [tilespmem:v17+s14+$0x0], $0xffff;
	v62 =	vsub.f32 v51, v52;
	v0 =	vadd.f32 v57, v0  }
0xeb: {  	v32 =	vld.idx.msk [tilespmem:v14+s14+$0x0], $0xffff  }
0xec: {  	v40 =	vld.idx.msk [tilespmem:v10+s14+$0x0], $0xffff;
	v26 =	vmul.f32 v62, v22;
	v27 =	vsub.f32 v55, v56;
	v0 =	vadd.f32 v61, v0  }
0xed: {  	v28 =	vld.idx.msk [tilespmem:v15+s14+$0x0], $0xffff  }
0xee: {  	v42 =	vld.idx.msk [tilespmem:v10+s15+$0x0], $0xffff;
	v30 =	vmul.f32 v27, v20;
	v31 =	vsub.f32 v59, v60;
	v0 =	vadd.f32 v26, v0  }
0xef: {  	v58 =	vld [tilespmem:$0x1FFD0]  }
0xf0: {  	v46 =	vld.idx.msk [tilespmem:v7+s15+$0x0], $0xffff;
	v35 =	vsub.f32 v24, v25;
	v34 =	vmul.f32 v31, v18;
	v0 =	vadd.f32 v30, v0  }
0xf1: {  	v37 =	vld.idx.msk [tilespmem:v12+s15+$0x0], $0xffff  }
0xf2: {  	v50 =	vld.idx.msk [tilespmem:v4+s15+$0x0], $0xffff;
	v38 =	vmul.f32 v35, v16;
	v39 =	vsub.f32 v28, v29;
	v0 =	vadd.f32 v34, v0  }
0xf3: {  	v55 =	vld [tilespmem:$0x1FFE0];
	v41 =	vor.u32 $0x1F, v8  }
0xf4: {  	v44 =	vsub.f32 v32, v33;
	v59 =	vld [tilespmem:$0x1FFC0];
	v43 =	vmul.f32 v39, v13;
	v0 =	vadd.f32 v38, v0  }
0xf5: {  	v45 =	vld.idx.msk [tilespmem:v7+s14+$0x0], $0xffff  }
0xf6: {  	v47 =	vmul.f32 v44, v11;
	v60 =	vld [tilespmem:$0x1FFF0];
	v48 =	vsub.f32 v36, v37;
	v0 =	vadd.f32 v43, v0  }
0xf7: {  	v49 =	vld.idx.msk [tilespmem:v4+s14+$0x0], $0xffff  }
0xf8: {  	v51 =	vmul.f32 v48, v9;
	v52 =	vld.idx.msk [tilespmem:v41+s14+$0x0], $0xffff;
	v53 =	vsub.f32 v40, v42;
	v0 =	vadd.f32 v47, v0  }
0xf9: {  	v54 =	vld.idx.msk [tilespmem:v41+s15+$0x0], $0xffff  }
0xfa: {  	v56 =	vsub.f32 v45, v46;
	v1 =	vmul.f32 v53, v55;
	v61 =	vld [tilespmem:$0x1FFB0];
	v0 =	vadd.f32 v51, v0  }
0xfb: {  	v57 =	vld.idx.msk [tilespmem:v41+s13+$0x0], $0xffff  }
0xfc: {  	v3 =	vsub.f32 v49, v50;
	v0 =	vadd.f32 v1, v0;
	v1 =	vmul.f32 v56, v58;
	_ =	sdelay $0x1  }
0xfd: {  	v2 =	vsub.f32 v52, v54;
	v0 =	vadd.f32 v1, v0;
	v1 =	vmul.f32 v3, v59  }
0xfe: {  	v3 =	vand.u32 v60, v61  }
0xff: {  	v62 =	vmul.f32 v2, v57;
	v0 =	vadd.f32 v1, v0;
	_ =	sdelay $0x1  }
0x100: {  	s18 =	sadd.s32 $0x1, s18;
	v0 =	vadd.f32 v62, v0  }
0x101: {  	p0 =	sne.s32 s18, s9  }
.Ltmp1:
0x102: {  	[tilespmem:v3+s17+$0x0] =	vst.idx.msk $0xffff, v0;
	(pc) =	sbr.rel @p0 .LBB2_1-.Ltmp1, $4  }
0x103: {  	[hbm4b:s8+s2] =	stream.linear.scatter [tilespmem:s17], [sflag:$0x2], $0x200, $0x38;
	[tilespmem:$0xC800] =	vst v63  }
0x104: {  	_ =	swait.ge [sflag:s10], $0x200  }
0x105: {  	[sflag:s10] =	ssyncset.done $0x0  }
0x106: {  	[sflag:s10] =	ssyncadd.s32 $0xFFFFFE00  }
0x107: {  	_ =	sfence.sel $0x180000  }
0x108: {  	[bflag:$0x0] =	sbarrier.arrive $0xFFFF  }
0x109: {  	p0 =	sne.s32 s1, $0x0;
	_ =	strace $0x90000047  }
0x10a: {  	s0 =	sadd.s32 @!p0 $0x100000, s0;
	[bflag:$0x2] =	sbarrier.arrive $0xFFFF  }
0x10b: {  	[sflag:s0] =	ssyncadd.tile.s32 @!p0 $0x1;
	_ =	shalt  }
.Lfunc_end2:
_tile_overlayer_lowered:
.L_overlay_start_2:
0x10c: {  	(tag) =	ssettag $0x2  }
0x10d: {  	s0 =	rddreg [dreg:$0x0];
	s2 =	stileid.u32  }
0x10e: {  	s1 =	rddreg [dreg:$0x1];
	p0 =	sne.s32 s2, $0x0  }
0x10f: {  	s3 =	rddreg [dreg:$0x2];
	[bflag:$0x3] =	sbarrier.arrive $0xFFFF;
	s2 =	simm.s32 @!p0 $0x1C02  }
0x110: {  	[timem:s3], [sflag:s2] =	dma.local @!p0 [hbm:s0], s1  }
0x111: {  	s0 =	simm.s32 @!p0 $0x2  }
0x112: {  	_ =	swait.ge @!p0 [sflag:s0], s1  }
0x113: {  	s1 =	ssub.s32 @!p0 $0x0, s1;
	[sflag:s0] =	ssyncset.done @!p0 $0x0  }
0x114: {  	[sflag:s0] =	ssyncadd.s32 @!p0 s1  }
0x115: {  	[bflag:$0x3] =	sbarrier.arrive $0xFFFF  }
0x116: {  	_ =	shalt  }

</sc_bundles>
